<compile_context>
chip_gen: v7x
topology: tpu7x:2x2x1
jax: 0.10.2.dev20260603
libtpu: 0.0.44.dev20260713+nightly
codegen_flags: <defaults>
</compile_context>

<pallas_src>
import functools

import jax
import jax.numpy as jnp
from jax import lax
from jax.experimental import pallas as pl
from jax.experimental.pallas import tpu as pltpu
from jax.experimental.pallas import tpu_sc as plsc

VOCAB = 100
DIM = 128

NC = 2
NS = 16
NW = NC * NS

B_TOKENS = 4096 * 200
B_PER_W = B_TOKENS // NW
CHUNK = 160
N_CHUNKS = B_PER_W // CHUNK
NBUF = 5
AHEAD = 2
N_GROUPS = N_CHUNKS // NBUF


def _table_body(ew_ref, w_ref, b_ref, out_ref):
    ew = ew_ref[...]
    w = w_ref[...]
    out_ref[...] = (
        lax.dot_general(ew, w, (((1,), (1,)), ((), ())),
                        preferred_element_type=jnp.float32)
        + b_ref[...]
    )


def _fused_table(embed_weight, fc_W, fc_b):
    return pl.pallas_call(
        _table_body,
        out_shape=jax.ShapeDtypeStruct((VOCAB, DIM), jnp.float32),
    )(embed_weight, fc_W, fc_b.reshape(1, DIM))


_sc_mesh = plsc.VectorSubcoreMesh(
    core_axis_name="c", subcore_axis_name="s", num_cores=NC, num_subcores=NS
)


@functools.partial(
    pl.kernel,
    out_type=jax.ShapeDtypeStruct((B_TOKENS, DIM), jnp.float32),
    mesh=_sc_mesh,
    scratch_types=[
        pltpu.VMEM((B_PER_W,), jnp.int32),
        pltpu.VMEM((NBUF, CHUNK, DIM), jnp.float32),
        pltpu.VMEM_SHARED((VOCAB, DIM), jnp.float32),
        pltpu.SemaphoreType.DMA((NBUF,)),
        pltpu.SemaphoreType.DMA((NBUF,)),
    ],
)
def _sc_gather(table_hbm, idx_hbm, out_hbm, idx_v, rows_v, table_sp,
               sem_in, sem_out):
    sid = lax.axis_index("s")
    wid = sid * NC + lax.axis_index("c")
    base = wid * B_PER_W

    @pl.when(sid == 0)
    def _():
        pltpu.sync_copy(table_hbm, table_sp)

    pltpu.sync_copy(idx_hbm.at[pl.ds(base, B_PER_W)], idx_v)
    plsc.subcore_barrier()

    def gather_copy(g, b):
        row0 = pl.multiple_of(g * CHUNK, CHUNK)
        return pltpu.make_async_copy(
            table_sp.at[idx_v.at[pl.ds(row0, CHUNK)]],
            rows_v.at[b],
            sem_in.at[b],
        )

    def out_copy(g, b):
        row0 = pl.multiple_of(g * CHUNK, CHUNK)
        return pltpu.make_async_copy(
            rows_v.at[b],
            out_hbm.at[pl.ds(base + row0, CHUNK)],
            sem_out.at[b],
        )

    def emit_group(g0, first=False, last=False):
        for b in range(NBUF):
            g = g0 + b
            gb = (b + AHEAD) % NBUF
            if not last or b < NBUF - AHEAD:
                if not first or b >= NBUF - AHEAD:
                    out_copy(g + AHEAD - NBUF, gb).wait()
                gather_copy(g + AHEAD, gb).start()
            gather_copy(g, b).wait()
            out_copy(g, b).start()

    for a in range(AHEAD):
        gather_copy(a, a).start()
    emit_group(0, first=True)

    def body(gi, carry):
        emit_group(gi * NBUF)
        return carry

    lax.fori_loop(1, N_GROUPS - 1, body, 0)
    emit_group(N_CHUNKS - NBUF, last=True)
    for b in range(NBUF):
        out_copy(N_CHUNKS - NBUF + b, b).wait()


def kernel(x, embed_weight, fc_W, fc_b):
    table = _fused_table(embed_weight, fc_W, fc_b)
    idx = x.reshape(-1).astype(jnp.int32)
    out = _sc_gather(table, idx)
    return out.reshape(x.shape[0], x.shape[1], DIM)

# --- scband reference (transcript-rebuilt; emitter-appended) ---
"""Pipeline reference for scband-toy-gather-model-15573551415428 (READ-ONLY COPY).

The authoritative reference and input builder live on the scoring server;
editing this copy changes nothing except your own understanding.
"""

import jax, jax.numpy as jnp
import numpy as np

VOCAB = 100
DIM = 128

def setup_inputs(seed: int = 0) -> dict:
    key = jax.random.key(seed)
    k1, k2, k3, k4 = jax.random.split(key, 4)
    x = jax.random.randint(k1, (4096, 200), 0, VOCAB)
    embed_weight = jax.random.normal(k2, (VOCAB, DIM), dtype=jnp.float32)
    fc_W = jax.random.normal(k3, (DIM, DIM), dtype=jnp.float32) * (1.0 / np.sqrt(DIM))
    fc_b = jax.random.normal(k4, (DIM,), dtype=jnp.float32) * 0.01
    return {"x": x, "embed_weight": embed_weight, "fc_W": fc_W, "fc_b": fc_b}

def reference(x, embed_weight, fc_W, fc_b):
    # GatherEmbedding: weight[x]  -> gather
    h = jnp.take(embed_weight, x, axis=0)  # [B, L, DIM]
    # nn.Linear: h @ W.T + b
    out = jnp.einsum('bld,ed->ble', h, fc_W) + fc_b
    return out

if __name__ == "__main__":
    import jax
    _d = setup_inputs()
    print(jax.jit(kernel)(*tuple(_d.values())))

</pallas_src>

<mosaic_0001>
#map = affine_map<(d0, d1) -> (0, 0)>
#map1 = affine_map<(d0, d1) -> (0)>
module attributes {stable_mosaic.version = 14 : i64} {
  func.func @_sc_gather(%arg0: i32, %arg1: i32, %arg2: memref<100x128xf32, #tpu.memory_space<hbm>>, %arg3: memref<819200xi32, #tpu.memory_space<hbm>>, %arg4: memref<819200x128xf32, #tpu.memory_space<hbm>>, %arg5: memref<25600xi32, #tpu.memory_space<vmem>>, %arg6: memref<5x160x128xf32, #tpu.memory_space<vmem>>, %arg7: memref<100x128xf32, #tpu.memory_space<vmem_shared>>, %arg8: memref<5x!tpu.dma_semaphore, #tpu.memory_space<semaphore_mem>>, %arg9: memref<5x!tpu.dma_semaphore, #tpu.memory_space<semaphore_mem>>) attributes {dimension_semantics = [#tpu.dimension_semantics<core_parallel>, #tpu.dimension_semantics<subcore_parallel>], iteration_bounds = array<i64: 2, 16>, scalar_prefetch = 0 : i64, scratch_operands = 5 : i64, tpu.core_type = #tpu.core_type<sc_vector_subcore>, window_params = [{transform_indices = #map}, {transform_indices = #map1}, {transform_indices = #map}]} {
    %mul3A = arith.constant 2 : i32
    %mul3A_0 = arith.muli %arg1, %mul3A : i32
    %add3A = arith.addi %mul3A_0, %arg0 : i32
    %mul3A_1 = arith.constant 25600 : i32
    %mul3A_2 = arith.muli %add3A, %mul3A_1 : i32
    %eq3A = arith.constant 0 : i32
    %eq3A_3 = arith.cmpi eq, %arg1, %eq3A : i32
    %convert_element_type3A = arith.extui %eq3A_3 : i1 to i32
    %cond3A = arith.constant 0 : i32
    %cond3A_4 = arith.cmpi ne, %convert_element_type3A, %cond3A : i32
    scf.if %cond3A_4 {
      "tpu.region"() ({
        %run_scoped3A = tpu.sem_alloc : memref<!tpu.dma_semaphore, #tpu.memory_space<semaphore_mem>>
        tpu.enqueue_dma source(%arg2 : memref<100x128xf32, #tpu.memory_space<hbm>>) target(%arg7 : memref<100x128xf32, #tpu.memory_space<vmem_shared>>) target_semaphore(%run_scoped3A : memref<!tpu.dma_semaphore, #tpu.memory_space<semaphore_mem>>)
        tpu.wait_dma2 semaphore(%run_scoped3A : memref<!tpu.dma_semaphore, #tpu.memory_space<semaphore_mem>>) src(%arg2 : memref<100x128xf32, #tpu.memory_space<hbm>>) dst(%arg7 : memref<100x128xf32, #tpu.memory_space<vmem_shared>>)
        tpu.yield
      }) : () -> ()
    } else {
    }
    "tpu.region"() ({
      %run_scoped3A = tpu.sem_alloc : memref<!tpu.dma_semaphore, #tpu.memory_space<semaphore_mem>>
      %dma_start3A_667 = tpu.memref_slice %arg3[%mul3A_2] : memref<819200xi32, #tpu.memory_space<hbm>> -> memref<25600xi32, #tpu.memory_space<hbm>>
      %dma_start3A_668 = tpu.memref_slice %arg3[%mul3A_2] : memref<819200xi32, #tpu.memory_space<hbm>> -> memref<25600xi32, #tpu.memory_space<hbm>>
      tpu.enqueue_dma source(%dma_start3A_668 : memref<25600xi32, #tpu.memory_space<hbm>>) target(%arg5 : memref<25600xi32, #tpu.memory_space<vmem>>) target_semaphore(%run_scoped3A : memref<!tpu.dma_semaphore, #tpu.memory_space<semaphore_mem>>)
      %dma_wait3A_669 = tpu.memref_slice %arg3[%mul3A_2] : memref<819200xi32, #tpu.memory_space<hbm>> -> memref<25600xi32, #tpu.memory_space<hbm>>
      %dma_wait3A_670 = tpu.memref_slice %arg3[%mul3A_2] : memref<819200xi32, #tpu.memory_space<hbm>> -> memref<25600xi32, #tpu.memory_space<hbm>>
      tpu.wait_dma2 semaphore(%run_scoped3A : memref<!tpu.dma_semaphore, #tpu.memory_space<semaphore_mem>>) src(%dma_wait3A_670 : memref<25600xi32, #tpu.memory_space<hbm>>) dst(%arg5 : memref<25600xi32, #tpu.memory_space<vmem>>)
      tpu.yield
    }) : () -> ()
    %barrier3A = arith.constant 0 : index
    tpu.barrier barrier_id(%barrier3A)
    %multiple_of3A = arith.constant 0 : i32
    %multiple_of3A_5 = tpu.assume_multiple %multiple_of3A, 160 : i32
    %dma_start3A = arith.constant 0 : i32
    %dma_start3A_6 = arith.constant 0 : i32
    %dma_start3A_7 = arith.constant 0 : i32
    %dma_start3A_8 = arith.constant 0 : i32
    %dma_start3A_9 = tpu.memref_slice %arg6[%dma_start3A, %dma_start3A_7, %dma_start3A_8] : memref<5x160x128xf32, #tpu.memory_space<vmem>> -> memref<1x160x128xf32, #tpu.memory_space<vmem>>
    %dma_start3A_10 = tpu.memref_squeeze %dma_start3A_9 : memref<1x160x128xf32, #tpu.memory_space<vmem>> -> memref<160x128xf32, #tpu.memory_space<vmem>>
    %dma_start3A_11 = tpu.memref_slice %arg5[%multiple_of3A_5] : memref<25600xi32, #tpu.memory_space<vmem>> -> memref<160xi32, #tpu.memory_space<vmem>>
    %dma_start3A_12 = arith.constant 0 : i32
    %dma_start3A_13 = arith.constant 0 : i32
    %dma_start3A_14 = tpu.memref_slice %arg7[%dma_start3A_12, %dma_start3A_13] : memref<100x128xf32, #tpu.memory_space<vmem_shared>> -> memref<100x128xf32, #tpu.memory_space<vmem_shared>>
    %dma_start3A_15 = tpu.memref_slice %arg8[%dma_start3A_6] : memref<5x!tpu.dma_semaphore, #tpu.memory_space<semaphore_mem>> -> memref<1x!tpu.dma_semaphore, #tpu.memory_space<semaphore_mem>>
    %dma_start3A_16 = tpu.memref_squeeze %dma_start3A_15 : memref<1x!tpu.dma_semaphore, #tpu.memory_space<semaphore_mem>> -> memref<!tpu.dma_semaphore, #tpu.memory_space<semaphore_mem>>
    tpu.enqueue_indirect_dma source(%dma_start3A_14 : memref<100x128xf32, #tpu.memory_space<vmem_shared>>) target(%dma_start3A_10 : memref<160x128xf32, #tpu.memory_space<vmem>>) offsets(%dma_start3A_11 : memref<160xi32, #tpu.memory_space<vmem>>) semaphore(%dma_start3A_16 : memref<!tpu.dma_semaphore, #tpu.memory_space<semaphore_mem>>)
    %multiple_of3A_17 = arith.constant 160 : i32
    %multiple_of3A_18 = tpu.assume_multiple %multiple_of3A_17, 160 : i32
    %dma_start3A_19 = arith.constant 1 : i32
    %dma_start3A_20 = arith.constant 1 : i32
    %dma_start3A_21 = arith.constant 0 : i32
    %dma_start3A_22 = arith.constant 0 : i32
    %dma_start3A_23 = tpu.memref_slice %arg6[%dma_start3A_19, %dma_start3A_21, %dma_start3A_22] : memref<5x160x128xf32, #tpu.memory_space<vmem>> -> memref<1x160x128xf32, #tpu.memory_space<vmem>>
    %dma_start3A_24 = tpu.memref_squeeze %dma_start3A_23 : memref<1x160x128xf32, #tpu.memory_space<vmem>> -> memref<160x128xf32, #tpu.memory_space<vmem>>
    %dma_start3A_25 = tpu.memref_slice %arg5[%multiple_of3A_18] : memref<25600xi32, #tpu.memory_space<vmem>> -> memref<160xi32, #tpu.memory_space<vmem>>
    %dma_start3A_26 = arith.constant 0 : i32
    %dma_start3A_27 = arith.constant 0 : i32
    %dma_start3A_28 = tpu.memref_slice %arg7[%dma_start3A_26, %dma_start3A_27] : memref<100x128xf32, #tpu.memory_space<vmem_shared>> -> memref<100x128xf32, #tpu.memory_space<vmem_shared>>
    %dma_start3A_29 = tpu.memref_slice %arg8[%dma_start3A_20] : memref<5x!tpu.dma_semaphore, #tpu.memory_space<semaphore_mem>> -> memref<1x!tpu.dma_semaphore, #tpu.memory_space<semaphore_mem>>
    %dma_start3A_30 = tpu.memref_squeeze %dma_start3A_29 : memref<1x!tpu.dma_semaphore, #tpu.memory_space<semaphore_mem>> -> memref<!tpu.dma_semaphore, #tpu.memory_space<semaphore_mem>>
    tpu.enqueue_indirect_dma source(%dma_start3A_28 : memref<100x128xf32, #tpu.memory_space<vmem_shared>>) target(%dma_start3A_24 : memref<160x128xf32, #tpu.memory_space<vmem>>) offsets(%dma_start3A_25 : memref<160xi32, #tpu.memory_space<vmem>>) semaphore(%dma_start3A_30 : memref<!tpu.dma_semaphore, #tpu.memory_space<semaphore_mem>>)
    %multiple_of3A_31 = arith.constant 320 : i32
    %multiple_of3A_32 = tpu.assume_multiple %multiple_of3A_31, 160 : i32
    %dma_start3A_33 = arith.constant 2 : i32
    %dma_start3A_34 = arith.constant 2 : i32
    %dma_start3A_35 = arith.constant 0 : i32
    %dma_start3A_36 = arith.constant 0 : i32
    %dma_start3A_37 = tpu.memref_slice %arg6[%dma_start3A_33, %dma_start3A_35, %dma_start3A_36] : memref<5x160x128xf32, #tpu.memory_space<vmem>> -> memref<1x160x128xf32, #tpu.memory_space<vmem>>
    %dma_start3A_38 = tpu.memref_squeeze %dma_start3A_37 : memref<1x160x128xf32, #tpu.memory_space<vmem>> -> memref<160x128xf32, #tpu.memory_space<vmem>>
    %dma_start3A_39 = tpu.memref_slice %arg5[%multiple_of3A_32] : memref<25600xi32, #tpu.memory_space<vmem>> -> memref<160xi32, #tpu.memory_space<vmem>>
    %dma_start3A_40 = arith.constant 0 : i32
    %dma_start3A_41 = arith.constant 0 : i32
    %dma_start3A_42 = tpu.memref_slice %arg7[%dma_start3A_40, %dma_start3A_41] : memref<100x128xf32, #tpu.memory_space<vmem_shared>> -> memref<100x128xf32, #tpu.memory_space<vmem_shared>>
    %dma_start3A_43 = tpu.memref_slice %arg8[%dma_start3A_34] : memref<5x!tpu.dma_semaphore, #tpu.memory_space<semaphore_mem>> -> memref<1x!tpu.dma_semaphore, #tpu.memory_space<semaphore_mem>>
    %dma_start3A_44 = tpu.memref_squeeze %dma_start3A_43 : memref<1x!tpu.dma_semaphore, #tpu.memory_space<semaphore_mem>> -> memref<!tpu.dma_semaphore, #tpu.memory_space<semaphore_mem>>
    tpu.enqueue_indirect_dma source(%dma_start3A_42 : memref<100x128xf32, #tpu.memory_space<vmem_shared>>) target(%dma_start3A_38 : memref<160x128xf32, #tpu.memory_space<vmem>>) offsets(%dma_start3A_39 : memref<160xi32, #tpu.memory_space<vmem>>) semaphore(%dma_start3A_44 : memref<!tpu.dma_semaphore, #tpu.memory_space<semaphore_mem>>)
    %multiple_of3A_45 = arith.constant 0 : i32
    %multiple_of3A_46 = tpu.assume_multiple %multiple_of3A_45, 160 : i32
    %dma_wait3A = arith.constant 0 : i32
    %dma_wait3A_47 = arith.constant 0 : i32
    %dma_wait3A_48 = arith.constant 0 : i32
    %dma_wait3A_49 = arith.constant 0 : i32
    %dma_wait3A_50 = tpu.memref_slice %arg6[%dma_wait3A, %dma_wait3A_48, %dma_wait3A_49] : memref<5x160x128xf32, #tpu.memory_space<vmem>> -> memref<1x160x128xf32, #tpu.memory_space<vmem>>
    %dma_wait3A_51 = tpu.memref_squeeze %dma_wait3A_50 : memref<1x160x128xf32, #tpu.memory_space<vmem>> -> memref<160x128xf32, #tpu.memory_space<vmem>>
    %dma_wait3A_52 = tpu.memref_slice %arg5[%multiple_of3A_46] : memref<25600xi32, #tpu.memory_space<vmem>> -> memref<160xi32, #tpu.memory_space<vmem>>
    %dma_wait3A_53 = arith.constant 0 : i32
    %dma_wait3A_54 = arith.constant 0 : i32
    %dma_wait3A_55 = tpu.memref_slice %arg7[%dma_wait3A_53, %dma_wait3A_54] : memref<100x128xf32, #tpu.memory_space<vmem_shared>> -> memref<100x128xf32, #tpu.memory_space<vmem_shared>>
    %dma_wait3A_56 = tpu.memref_slice %arg8[%dma_wait3A_47] : memref<5x!tpu.dma_semaphore, #tpu.memory_space<semaphore_mem>> -> memref<1x!tpu.dma_semaphore, #tpu.memory_space<semaphore_mem>>
    %dma_wait3A_57 = tpu.memref_squeeze %dma_wait3A_56 : memref<1x!tpu.dma_semaphore, #tpu.memory_space<semaphore_mem>> -> memref<!tpu.dma_semaphore, #tpu.memory_space<semaphore_mem>>
    tpu.wait_indirect_dma semaphore(%dma_wait3A_57 : memref<!tpu.dma_semaphore, #tpu.memory_space<semaphore_mem>>) src(%dma_wait3A_55 : memref<100x128xf32, #tpu.memory_space<vmem_shared>>) dst(%dma_wait3A_51 : memref<160x128xf32, #tpu.memory_space<vmem>>)
    %multiple_of3A_58 = arith.constant 0 : i32
    %multiple_of3A_59 = tpu.assume_multiple %multiple_of3A_58, 160 : i32
    %add3A_60 = arith.addi %mul3A_2, %multiple_of3A_59 : i32
    %dma_start3A_61 = arith.constant 0 : i32
    %dma_start3A_62 = arith.constant 0 : i32
    %dma_start3A_63 = arith.constant 0 : i32
    %dma_start3A_64 = arith.constant 0 : i32
    %dma_start3A_65 = tpu.memref_slice %arg6[%dma_start3A_61, %dma_start3A_63, %dma_start3A_64] : memref<5x160x128xf32, #tpu.memory_space<vmem>> -> memref<1x160x128xf32, #tpu.memory_space<vmem>>
    %dma_start3A_66 = tpu.memref_squeeze %dma_start3A_65 : memref<1x160x128xf32, #tpu.memory_space<vmem>> -> memref<160x128xf32, #tpu.memory_space<vmem>>
    %dma_start3A_67 = arith.constant 0 : i32
    %dma_start3A_68 = tpu.memref_slice %arg4[%add3A_60, %dma_start3A_67] : memref<819200x128xf32, #tpu.memory_space<hbm>> -> memref<160x128xf32, #tpu.memory_space<hbm>>
    %dma_start3A_69 = tpu.memref_slice %arg9[%dma_start3A_62] : memref<5x!tpu.dma_semaphore, #tpu.memory_space<semaphore_mem>> -> memref<1x!tpu.dma_semaphore, #tpu.memory_space<semaphore_mem>>
    %dma_start3A_70 = tpu.memref_squeeze %dma_start3A_69 : memref<1x!tpu.dma_semaphore, #tpu.memory_space<semaphore_mem>> -> memref<!tpu.dma_semaphore, #tpu.memory_space<semaphore_mem>>
    %dma_start3A_71 = arith.constant 0 : i32
    %dma_start3A_72 = tpu.memref_slice %arg4[%add3A_60, %dma_start3A_71] : memref<819200x128xf32, #tpu.memory_space<hbm>> -> memref<160x128xf32, #tpu.memory_space<hbm>>
    %dma_start3A_73 = arith.constant 0 : i32
    %dma_start3A_74 = arith.constant 0 : i32
    %dma_start3A_75 = tpu.memref_slice %arg6[%dma_start3A_61, %dma_start3A_73, %dma_start3A_74] : memref<5x160x128xf32, #tpu.memory_space<vmem>> -> memref<1x160x128xf32, #tpu.memory_space<vmem>>
    %dma_start3A_76 = tpu.memref_squeeze %dma_start3A_75 : memref<1x160x128xf32, #tpu.memory_space<vmem>> -> memref<160x128xf32, #tpu.memory_space<vmem>>
    tpu.enqueue_dma source(%dma_start3A_76 : memref<160x128xf32, #tpu.memory_space<vmem>>) target(%dma_start3A_72 : memref<160x128xf32, #tpu.memory_space<hbm>>) target_semaphore(%dma_start3A_70 : memref<!tpu.dma_semaphore, #tpu.memory_space<semaphore_mem>>)
    %multiple_of3A_77 = arith.constant 480 : i32
    %multiple_of3A_78 = tpu.assume_multiple %multiple_of3A_77, 160 : i32
    %dma_start3A_79 = arith.constant 3 : i32
    %dma_start3A_80 = arith.constant 3 : i32
    %dma_start3A_81 = arith.constant 0 : i32
    %dma_start3A_82 = arith.constant 0 : i32
    %dma_start3A_83 = tpu.memref_slice %arg6[%dma_start3A_79, %dma_start3A_81, %dma_start3A_82] : memref<5x160x128xf32, #tpu.memory_space<vmem>> -> memref<1x160x128xf32, #tpu.memory_space<vmem>>
    %dma_start3A_84 = tpu.memref_squeeze %dma_start3A_83 : memref<1x160x128xf32, #tpu.memory_space<vmem>> -> memref<160x128xf32, #tpu.memory_space<vmem>>
    %dma_start3A_85 = tpu.memref_slice %arg5[%multiple_of3A_78] : memref<25600xi32, #tpu.memory_space<vmem>> -> memref<160xi32, #tpu.memory_space<vmem>>
    %dma_start3A_86 = arith.constant 0 : i32
    %dma_start3A_87 = arith.constant 0 : i32
    %dma_start3A_88 = tpu.memref_slice %arg7[%dma_start3A_86, %dma_start3A_87] : memref<100x128xf32, #tpu.memory_space<vmem_shared>> -> memref<100x128xf32, #tpu.memory_space<vmem_shared>>
    %dma_start3A_89 = tpu.memref_slice %arg8[%dma_start3A_80] : memref<5x!tpu.dma_semaphore, #tpu.memory_space<semaphore_mem>> -> memref<1x!tpu.dma_semaphore, #tpu.memory_space<semaphore_mem>>
    %dma_start3A_90 = tpu.memref_squeeze %dma_start3A_89 : memref<1x!tpu.dma_semaphore, #tpu.memory_space<semaphore_mem>> -> memref<!tpu.dma_semaphore, #tpu.memory_space<semaphore_mem>>
    tpu.enqueue_indirect_dma source(%dma_start3A_88 : memref<100x128xf32, #tpu.memory_space<vmem_shared>>) target(%dma_start3A_84 : memref<160x128xf32, #tpu.memory_space<vmem>>) offsets(%dma_start3A_85 : memref<160xi32, #tpu.memory_space<vmem>>) semaphore(%dma_start3A_90 : memref<!tpu.dma_semaphore, #tpu.memory_space<semaphore_mem>>)
    %multiple_of3A_91 = arith.constant 160 : i32
    %multiple_of3A_92 = tpu.assume_multiple %multiple_of3A_91, 160 : i32
    %dma_wait3A_93 = arith.constant 1 : i32
    %dma_wait3A_94 = arith.constant 1 : i32
    %dma_wait3A_95 = arith.constant 0 : i32
    %dma_wait3A_96 = arith.constant 0 : i32
    %dma_wait3A_97 = tpu.memref_slice %arg6[%dma_wait3A_93, %dma_wait3A_95, %dma_wait3A_96] : memref<5x160x128xf32, #tpu.memory_space<vmem>> -> memref<1x160x128xf32, #tpu.memory_space<vmem>>
    %dma_wait3A_98 = tpu.memref_squeeze %dma_wait3A_97 : memref<1x160x128xf32, #tpu.memory_space<vmem>> -> memref<160x128xf32, #tpu.memory_space<vmem>>
    %dma_wait3A_99 = tpu.memref_slice %arg5[%multiple_of3A_92] : memref<25600xi32, #tpu.memory_space<vmem>> -> memref<160xi32, #tpu.memory_space<vmem>>
    %dma_wait3A_100 = arith.constant 0 : i32
    %dma_wait3A_101 = arith.constant 0 : i32
    %dma_wait3A_102 = tpu.memref_slice %arg7[%dma_wait3A_100, %dma_wait3A_101] : memref<100x128xf32, #tpu.memory_space<vmem_shared>> -> memref<100x128xf32, #tpu.memory_space<vmem_shared>>
    %dma_wait3A_103 = tpu.memref_slice %arg8[%dma_wait3A_94] : memref<5x!tpu.dma_semaphore, #tpu.memory_space<semaphore_mem>> -> memref<1x!tpu.dma_semaphore, #tpu.memory_space<semaphore_mem>>
    %dma_wait3A_104 = tpu.memref_squeeze %dma_wait3A_103 : memref<1x!tpu.dma_semaphore, #tpu.memory_space<semaphore_mem>> -> memref<!tpu.dma_semaphore, #tpu.memory_space<semaphore_mem>>
    tpu.wait_indirect_dma semaphore(%dma_wait3A_104 : memref<!tpu.dma_semaphore, #tpu.memory_space<semaphore_mem>>) src(%dma_wait3A_102 : memref<100x128xf32, #tpu.memory_space<vmem_shared>>) dst(%dma_wait3A_98 : memref<160x128xf32, #tpu.memory_space<vmem>>)
    %multiple_of3A_105 = arith.constant 160 : i32
    %multiple_of3A_106 = tpu.assume_multiple %multiple_of3A_105, 160 : i32
    %add3A_107 = arith.addi %mul3A_2, %multiple_of3A_106 : i32
    %dma_start3A_108 = arith.constant 1 : i32
    %dma_start3A_109 = arith.constant 1 : i32
    %dma_start3A_110 = arith.constant 0 : i32
    %dma_start3A_111 = arith.constant 0 : i32
    %dma_start3A_112 = tpu.memref_slice %arg6[%dma_start3A_108, %dma_start3A_110, %dma_start3A_111] : memref<5x160x128xf32, #tpu.memory_space<vmem>> -> memref<1x160x128xf32, #tpu.memory_space<vmem>>
    %dma_start3A_113 = tpu.memref_squeeze %dma_start3A_112 : memref<1x160x128xf32, #tpu.memory_space<vmem>> -> memref<160x128xf32, #tpu.memory_space<vmem>>
    %dma_start3A_114 = arith.constant 0 : i32
    %dma_start3A_115 = tpu.memref_slice %arg4[%add3A_107, %dma_start3A_114] : memref<819200x128xf32, #tpu.memory_space<hbm>> -> memref<160x128xf32, #tpu.memory_space<hbm>>
    %dma_start3A_116 = tpu.memref_slice %arg9[%dma_start3A_109] : memref<5x!tpu.dma_semaphore, #tpu.memory_space<semaphore_mem>> -> memref<1x!tpu.dma_semaphore, #tpu.memory_space<semaphore_mem>>
    %dma_start3A_117 = tpu.memref_squeeze %dma_start3A_116 : memref<1x!tpu.dma_semaphore, #tpu.memory_space<semaphore_mem>> -> memref<!tpu.dma_semaphore, #tpu.memory_space<semaphore_mem>>
    %dma_start3A_118 = arith.constant 0 : i32
    %dma_start3A_119 = tpu.memref_slice %arg4[%add3A_107, %dma_start3A_118] : memref<819200x128xf32, #tpu.memory_space<hbm>> -> memref<160x128xf32, #tpu.memory_space<hbm>>
    %dma_start3A_120 = arith.constant 0 : i32
    %dma_start3A_121 = arith.constant 0 : i32
    %dma_start3A_122 = tpu.memref_slice %arg6[%dma_start3A_108, %dma_start3A_120, %dma_start3A_121] : memref<5x160x128xf32, #tpu.memory_space<vmem>> -> memref<1x160x128xf32, #tpu.memory_space<vmem>>
    %dma_start3A_123 = tpu.memref_squeeze %dma_start3A_122 : memref<1x160x128xf32, #tpu.memory_space<vmem>> -> memref<160x128xf32, #tpu.memory_space<vmem>>
    tpu.enqueue_dma source(%dma_start3A_123 : memref<160x128xf32, #tpu.memory_space<vmem>>) target(%dma_start3A_119 : memref<160x128xf32, #tpu.memory_space<hbm>>) target_semaphore(%dma_start3A_117 : memref<!tpu.dma_semaphore, #tpu.memory_space<semaphore_mem>>)
    %multiple_of3A_124 = arith.constant 640 : i32
    %multiple_of3A_125 = tpu.assume_multiple %multiple_of3A_124, 160 : i32
    %dma_start3A_126 = arith.constant 4 : i32
    %dma_start3A_127 = arith.constant 4 : i32
    %dma_start3A_128 = arith.constant 0 : i32
    %dma_start3A_129 = arith.constant 0 : i32
    %dma_start3A_130 = tpu.memref_slice %arg6[%dma_start3A_126, %dma_start3A_128, %dma_start3A_129] : memref<5x160x128xf32, #tpu.memory_space<vmem>> -> memref<1x160x128xf32, #tpu.memory_space<vmem>>
    %dma_start3A_131 = tpu.memref_squeeze %dma_start3A_130 : memref<1x160x128xf32, #tpu.memory_space<vmem>> -> memref<160x128xf32, #tpu.memory_space<vmem>>
    %dma_start3A_132 = tpu.memref_slice %arg5[%multiple_of3A_125] : memref<25600xi32, #tpu.memory_space<vmem>> -> memref<160xi32, #tpu.memory_space<vmem>>
    %dma_start3A_133 = arith.constant 0 : i32
    %dma_start3A_134 = arith.constant 0 : i32
    %dma_start3A_135 = tpu.memref_slice %arg7[%dma_start3A_133, %dma_start3A_134] : memref<100x128xf32, #tpu.memory_space<vmem_shared>> -> memref<100x128xf32, #tpu.memory_space<vmem_shared>>
    %dma_start3A_136 = tpu.memref_slice %arg8[%dma_start3A_127] : memref<5x!tpu.dma_semaphore, #tpu.memory_space<semaphore_mem>> -> memref<1x!tpu.dma_semaphore, #tpu.memory_space<semaphore_mem>>
    %dma_start3A_137 = tpu.memref_squeeze %dma_start3A_136 : memref<1x!tpu.dma_semaphore, #tpu.memory_space<semaphore_mem>> -> memref<!tpu.dma_semaphore, #tpu.memory_space<semaphore_mem>>
    tpu.enqueue_indirect_dma source(%dma_start3A_135 : memref<100x128xf32, #tpu.memory_space<vmem_shared>>) target(%dma_start3A_131 : memref<160x128xf32, #tpu.memory_space<vmem>>) offsets(%dma_start3A_132 : memref<160xi32, #tpu.memory_space<vmem>>) semaphore(%dma_start3A_137 : memref<!tpu.dma_semaphore, #tpu.memory_space<semaphore_mem>>)
    %multiple_of3A_138 = arith.constant 320 : i32
    %multiple_of3A_139 = tpu.assume_multiple %multiple_of3A_138, 160 : i32
    %dma_wait3A_140 = arith.constant 2 : i32
    %dma_wait3A_141 = arith.constant 2 : i32
    %dma_wait3A_142 = arith.constant 0 : i32
    %dma_wait3A_143 = arith.constant 0 : i32
    %dma_wait3A_144 = tpu.memref_slice %arg6[%dma_wait3A_140, %dma_wait3A_142, %dma_wait3A_143] : memref<5x160x128xf32, #tpu.memory_space<vmem>> -> memref<1x160x128xf32, #tpu.memory_space<vmem>>
    %dma_wait3A_145 = tpu.memref_squeeze %dma_wait3A_144 : memref<1x160x128xf32, #tpu.memory_space<vmem>> -> memref<160x128xf32, #tpu.memory_space<vmem>>
    %dma_wait3A_146 = tpu.memref_slice %arg5[%multiple_of3A_139] : memref<25600xi32, #tpu.memory_space<vmem>> -> memref<160xi32, #tpu.memory_space<vmem>>
    %dma_wait3A_147 = arith.constant 0 : i32
    %dma_wait3A_148 = arith.constant 0 : i32
    %dma_wait3A_149 = tpu.memref_slice %arg7[%dma_wait3A_147, %dma_wait3A_148] : memref<100x128xf32, #tpu.memory_space<vmem_shared>> -> memref<100x128xf32, #tpu.memory_space<vmem_shared>>
    %dma_wait3A_150 = tpu.memref_slice %arg8[%dma_wait3A_141] : memref<5x!tpu.dma_semaphore, #tpu.memory_space<semaphore_mem>> -> memref<1x!tpu.dma_semaphore, #tpu.memory_space<semaphore_mem>>
    %dma_wait3A_151 = tpu.memref_squeeze %dma_wait3A_150 : memref<1x!tpu.dma_semaphore, #tpu.memory_space<semaphore_mem>> -> memref<!tpu.dma_semaphore, #tpu.memory_space<semaphore_mem>>
    tpu.wait_indirect_dma semaphore(%dma_wait3A_151 : memref<!tpu.dma_semaphore, #tpu.memory_space<semaphore_mem>>) src(%dma_wait3A_149 : memref<100x128xf32, #tpu.memory_space<vmem_shared>>) dst(%dma_wait3A_145 : memref<160x128xf32, #tpu.memory_space<vmem>>)
    %multiple_of3A_152 = arith.constant 320 : i32
    %multiple_of3A_153 = tpu.assume_multiple %multiple_of3A_152, 160 : i32
    %add3A_154 = arith.addi %mul3A_2, %multiple_of3A_153 : i32
    %dma_start3A_155 = arith.constant 2 : i32
    %dma_start3A_156 = arith.constant 2 : i32
    %dma_start3A_157 = arith.constant 0 : i32
    %dma_start3A_158 = arith.constant 0 : i32
    %dma_start3A_159 = tpu.memref_slice %arg6[%dma_start3A_155, %dma_start3A_157, %dma_start3A_158] : memref<5x160x128xf32, #tpu.memory_space<vmem>> -> memref<1x160x128xf32, #tpu.memory_space<vmem>>
    %dma_start3A_160 = tpu.memref_squeeze %dma_start3A_159 : memref<1x160x128xf32, #tpu.memory_space<vmem>> -> memref<160x128xf32, #tpu.memory_space<vmem>>
    %dma_start3A_161 = arith.constant 0 : i32
    %dma_start3A_162 = tpu.memref_slice %arg4[%add3A_154, %dma_start3A_161] : memref<819200x128xf32, #tpu.memory_space<hbm>> -> memref<160x128xf32, #tpu.memory_space<hbm>>
    %dma_start3A_163 = tpu.memref_slice %arg9[%dma_start3A_156] : memref<5x!tpu.dma_semaphore, #tpu.memory_space<semaphore_mem>> -> memref<1x!tpu.dma_semaphore, #tpu.memory_space<semaphore_mem>>
    %dma_start3A_164 = tpu.memref_squeeze %dma_start3A_163 : memref<1x!tpu.dma_semaphore, #tpu.memory_space<semaphore_mem>> -> memref<!tpu.dma_semaphore, #tpu.memory_space<semaphore_mem>>
    %dma_start3A_165 = arith.constant 0 : i32
    %dma_start3A_166 = tpu.memref_slice %arg4[%add3A_154, %dma_start3A_165] : memref<819200x128xf32, #tpu.memory_space<hbm>> -> memref<160x128xf32, #tpu.memory_space<hbm>>
    %dma_start3A_167 = arith.constant 0 : i32
    %dma_start3A_168 = arith.constant 0 : i32
    %dma_start3A_169 = tpu.memref_slice %arg6[%dma_start3A_155, %dma_start3A_167, %dma_start3A_168] : memref<5x160x128xf32, #tpu.memory_space<vmem>> -> memref<1x160x128xf32, #tpu.memory_space<vmem>>
    %dma_start3A_170 = tpu.memref_squeeze %dma_start3A_169 : memref<1x160x128xf32, #tpu.memory_space<vmem>> -> memref<160x128xf32, #tpu.memory_space<vmem>>
    tpu.enqueue_dma source(%dma_start3A_170 : memref<160x128xf32, #tpu.memory_space<vmem>>) target(%dma_start3A_166 : memref<160x128xf32, #tpu.memory_space<hbm>>) target_semaphore(%dma_start3A_164 : memref<!tpu.dma_semaphore, #tpu.memory_space<semaphore_mem>>)
    %multiple_of3A_171 = arith.constant 0 : i32
    %multiple_of3A_172 = tpu.assume_multiple %multiple_of3A_171, 160 : i32
    %add3A_173 = arith.addi %mul3A_2, %multiple_of3A_172 : i32
    %dma_wait3A_174 = arith.constant 0 : i32
    %dma_wait3A_175 = arith.constant 0 : i32
    %dma_wait3A_176 = arith.constant 0 : i32
    %dma_wait3A_177 = arith.constant 0 : i32
    %dma_wait3A_178 = tpu.memref_slice %arg6[%dma_wait3A_174, %dma_wait3A_176, %dma_wait3A_177] : memref<5x160x128xf32, #tpu.memory_space<vmem>> -> memref<1x160x128xf32, #tpu.memory_space<vmem>>
    %dma_wait3A_179 = tpu.memref_squeeze %dma_wait3A_178 : memref<1x160x128xf32, #tpu.memory_space<vmem>> -> memref<160x128xf32, #tpu.memory_space<vmem>>
    %dma_wait3A_180 = arith.constant 0 : i32
    %dma_wait3A_181 = tpu.memref_slice %arg4[%add3A_173, %dma_wait3A_180] : memref<819200x128xf32, #tpu.memory_space<hbm>> -> memref<160x128xf32, #tpu.memory_space<hbm>>
    %dma_wait3A_182 = tpu.memref_slice %arg9[%dma_wait3A_175] : memref<5x!tpu.dma_semaphore, #tpu.memory_space<semaphore_mem>> -> memref<1x!tpu.dma_semaphore, #tpu.memory_space<semaphore_mem>>
    %dma_wait3A_183 = tpu.memref_squeeze %dma_wait3A_182 : memref<1x!tpu.dma_semaphore, #tpu.memory_space<semaphore_mem>> -> memref<!tpu.dma_semaphore, #tpu.memory_space<semaphore_mem>>
    %dma_wait3A_184 = arith.constant 0 : i32
    %dma_wait3A_185 = tpu.memref_slice %arg4[%add3A_173, %dma_wait3A_184] : memref<819200x128xf32, #tpu.memory_space<hbm>> -> memref<160x128xf32, #tpu.memory_space<hbm>>
    %dma_wait3A_186 = arith.constant 0 : i32
    %dma_wait3A_187 = arith.constant 0 : i32
    %dma_wait3A_188 = tpu.memref_slice %arg6[%dma_wait3A_174, %dma_wait3A_186, %dma_wait3A_187] : memref<5x160x128xf32, #tpu.memory_space<vmem>> -> memref<1x160x128xf32, #tpu.memory_space<vmem>>
    %dma_wait3A_189 = tpu.memref_squeeze %dma_wait3A_188 : memref<1x160x128xf32, #tpu.memory_space<vmem>> -> memref<160x128xf32, #tpu.memory_space<vmem>>
    tpu.wait_dma2 semaphore(%dma_wait3A_183 : memref<!tpu.dma_semaphore, #tpu.memory_space<semaphore_mem>>) src(%dma_wait3A_189 : memref<160x128xf32, #tpu.memory_space<vmem>>) dst(%dma_wait3A_185 : memref<160x128xf32, #tpu.memory_space<hbm>>)
    %multiple_of3A_190 = arith.constant 800 : i32
    %multiple_of3A_191 = tpu.assume_multiple %multiple_of3A_190, 160 : i32
    %dma_start3A_192 = arith.constant 0 : i32
    %dma_start3A_193 = arith.constant 0 : i32
    %dma_start3A_194 = arith.constant 0 : i32
    %dma_start3A_195 = arith.constant 0 : i32
    %dma_start3A_196 = tpu.memref_slice %arg6[%dma_start3A_192, %dma_start3A_194, %dma_start3A_195] : memref<5x160x128xf32, #tpu.memory_space<vmem>> -> memref<1x160x128xf32, #tpu.memory_space<vmem>>
    %dma_start3A_197 = tpu.memref_squeeze %dma_start3A_196 : memref<1x160x128xf32, #tpu.memory_space<vmem>> -> memref<160x128xf32, #tpu.memory_space<vmem>>
    %dma_start3A_198 = tpu.memref_slice %arg5[%multiple_of3A_191] : memref<25600xi32, #tpu.memory_space<vmem>> -> memref<160xi32, #tpu.memory_space<vmem>>
    %dma_start3A_199 = arith.constant 0 : i32
    %dma_start3A_200 = arith.constant 0 : i32
    %dma_start3A_201 = tpu.memref_slice %arg7[%dma_start3A_199, %dma_start3A_200] : memref<100x128xf32, #tpu.memory_space<vmem_shared>> -> memref<100x128xf32, #tpu.memory_space<vmem_shared>>
    %dma_start3A_202 = tpu.memref_slice %arg8[%dma_start3A_193] : memref<5x!tpu.dma_semaphore, #tpu.memory_space<semaphore_mem>> -> memref<1x!tpu.dma_semaphore, #tpu.memory_space<semaphore_mem>>
    %dma_start3A_203 = tpu.memref_squeeze %dma_start3A_202 : memref<1x!tpu.dma_semaphore, #tpu.memory_space<semaphore_mem>> -> memref<!tpu.dma_semaphore, #tpu.memory_space<semaphore_mem>>
    tpu.enqueue_indirect_dma source(%dma_start3A_201 : memref<100x128xf32, #tpu.memory_space<vmem_shared>>) target(%dma_start3A_197 : memref<160x128xf32, #tpu.memory_space<vmem>>) offsets(%dma_start3A_198 : memref<160xi32, #tpu.memory_space<vmem>>) semaphore(%dma_start3A_203 : memref<!tpu.dma_semaphore, #tpu.memory_space<semaphore_mem>>)
    %multiple_of3A_204 = arith.constant 480 : i32
    %multiple_of3A_205 = tpu.assume_multiple %multiple_of3A_204, 160 : i32
    %dma_wait3A_206 = arith.constant 3 : i32
    %dma_wait3A_207 = arith.constant 3 : i32
    %dma_wait3A_208 = arith.constant 0 : i32
    %dma_wait3A_209 = arith.constant 0 : i32
    %dma_wait3A_210 = tpu.memref_slice %arg6[%dma_wait3A_206, %dma_wait3A_208, %dma_wait3A_209] : memref<5x160x128xf32, #tpu.memory_space<vmem>> -> memref<1x160x128xf32, #tpu.memory_space<vmem>>
    %dma_wait3A_211 = tpu.memref_squeeze %dma_wait3A_210 : memref<1x160x128xf32, #tpu.memory_space<vmem>> -> memref<160x128xf32, #tpu.memory_space<vmem>>
    %dma_wait3A_212 = tpu.memref_slice %arg5[%multiple_of3A_205] : memref<25600xi32, #tpu.memory_space<vmem>> -> memref<160xi32, #tpu.memory_space<vmem>>
    %dma_wait3A_213 = arith.constant 0 : i32
    %dma_wait3A_214 = arith.constant 0 : i32
    %dma_wait3A_215 = tpu.memref_slice %arg7[%dma_wait3A_213, %dma_wait3A_214] : memref<100x128xf32, #tpu.memory_space<vmem_shared>> -> memref<100x128xf32, #tpu.memory_space<vmem_shared>>
    %dma_wait3A_216 = tpu.memref_slice %arg8[%dma_wait3A_207] : memref<5x!tpu.dma_semaphore, #tpu.memory_space<semaphore_mem>> -> memref<1x!tpu.dma_semaphore, #tpu.memory_space<semaphore_mem>>
    %dma_wait3A_217 = tpu.memref_squeeze %dma_wait3A_216 : memref<1x!tpu.dma_semaphore, #tpu.memory_space<semaphore_mem>> -> memref<!tpu.dma_semaphore, #tpu.memory_space<semaphore_mem>>
    tpu.wait_indirect_dma semaphore(%dma_wait3A_217 : memref<!tpu.dma_semaphore, #tpu.memory_space<semaphore_mem>>) src(%dma_wait3A_215 : memref<100x128xf32, #tpu.memory_space<vmem_shared>>) dst(%dma_wait3A_211 : memref<160x128xf32, #tpu.memory_space<vmem>>)
    %multiple_of3A_218 = arith.constant 480 : i32
    %multiple_of3A_219 = tpu.assume_multiple %multiple_of3A_218, 160 : i32
    %add3A_220 = arith.addi %mul3A_2, %multiple_of3A_219 : i32
    %dma_start3A_221 = arith.constant 3 : i32
    %dma_start3A_222 = arith.constant 3 : i32
    %dma_start3A_223 = arith.constant 0 : i32
    %dma_start3A_224 = arith.constant 0 : i32
    %dma_start3A_225 = tpu.memref_slice %arg6[%dma_start3A_221, %dma_start3A_223, %dma_start3A_224] : memref<5x160x128xf32, #tpu.memory_space<vmem>> -> memref<1x160x128xf32, #tpu.memory_space<vmem>>
    %dma_start3A_226 = tpu.memref_squeeze %dma_start3A_225 : memref<1x160x128xf32, #tpu.memory_space<vmem>> -> memref<160x128xf32, #tpu.memory_space<vmem>>
    %dma_start3A_227 = arith.constant 0 : i32
    %dma_start3A_228 = tpu.memref_slice %arg4[%add3A_220, %dma_start3A_227] : memref<819200x128xf32, #tpu.memory_space<hbm>> -> memref<160x128xf32, #tpu.memory_space<hbm>>
    %dma_start3A_229 = tpu.memref_slice %arg9[%dma_start3A_222] : memref<5x!tpu.dma_semaphore, #tpu.memory_space<semaphore_mem>> -> memref<1x!tpu.dma_semaphore, #tpu.memory_space<semaphore_mem>>
    %dma_start3A_230 = tpu.memref_squeeze %dma_start3A_229 : memref<1x!tpu.dma_semaphore, #tpu.memory_space<semaphore_mem>> -> memref<!tpu.dma_semaphore, #tpu.memory_space<semaphore_mem>>
    %dma_start3A_231 = arith.constant 0 : i32
    %dma_start3A_232 = tpu.memref_slice %arg4[%add3A_220, %dma_start3A_231] : memref<819200x128xf32, #tpu.memory_space<hbm>> -> memref<160x128xf32, #tpu.memory_space<hbm>>
    %dma_start3A_233 = arith.constant 0 : i32
    %dma_start3A_234 = arith.constant 0 : i32
    %dma_start3A_235 = tpu.memref_slice %arg6[%dma_start3A_221, %dma_start3A_233, %dma_start3A_234] : memref<5x160x128xf32, #tpu.memory_space<vmem>> -> memref<1x160x128xf32, #tpu.memory_space<vmem>>
    %dma_start3A_236 = tpu.memref_squeeze %dma_start3A_235 : memref<1x160x128xf32, #tpu.memory_space<vmem>> -> memref<160x128xf32, #tpu.memory_space<vmem>>
    tpu.enqueue_dma source(%dma_start3A_236 : memref<160x128xf32, #tpu.memory_space<vmem>>) target(%dma_start3A_232 : memref<160x128xf32, #tpu.memory_space<hbm>>) target_semaphore(%dma_start3A_230 : memref<!tpu.dma_semaphore, #tpu.memory_space<semaphore_mem>>)
    %multiple_of3A_237 = arith.constant 160 : i32
    %multiple_of3A_238 = tpu.assume_multiple %multiple_of3A_237, 160 : i32
    %add3A_239 = arith.addi %mul3A_2, %multiple_of3A_238 : i32
    %dma_wait3A_240 = arith.constant 1 : i32
    %dma_wait3A_241 = arith.constant 1 : i32
    %dma_wait3A_242 = arith.constant 0 : i32
    %dma_wait3A_243 = arith.constant 0 : i32
    %dma_wait3A_244 = tpu.memref_slice %arg6[%dma_wait3A_240, %dma_wait3A_242, %dma_wait3A_243] : memref<5x160x128xf32, #tpu.memory_space<vmem>> -> memref<1x160x128xf32, #tpu.memory_space<vmem>>
    %dma_wait3A_245 = tpu.memref_squeeze %dma_wait3A_244 : memref<1x160x128xf32, #tpu.memory_space<vmem>> -> memref<160x128xf32, #tpu.memory_space<vmem>>
    %dma_wait3A_246 = arith.constant 0 : i32
    %dma_wait3A_247 = tpu.memref_slice %arg4[%add3A_239, %dma_wait3A_246] : memref<819200x128xf32, #tpu.memory_space<hbm>> -> memref<160x128xf32, #tpu.memory_space<hbm>>
    %dma_wait3A_248 = tpu.memref_slice %arg9[%dma_wait3A_241] : memref<5x!tpu.dma_semaphore, #tpu.memory_space<semaphore_mem>> -> memref<1x!tpu.dma_semaphore, #tpu.memory_space<semaphore_mem>>
    %dma_wait3A_249 = tpu.memref_squeeze %dma_wait3A_248 : memref<1x!tpu.dma_semaphore, #tpu.memory_space<semaphore_mem>> -> memref<!tpu.dma_semaphore, #tpu.memory_space<semaphore_mem>>
    %dma_wait3A_250 = arith.constant 0 : i32
    %dma_wait3A_251 = tpu.memref_slice %arg4[%add3A_239, %dma_wait3A_250] : memref<819200x128xf32, #tpu.memory_space<hbm>> -> memref<160x128xf32, #tpu.memory_space<hbm>>
    %dma_wait3A_252 = arith.constant 0 : i32
    %dma_wait3A_253 = arith.constant 0 : i32
    %dma_wait3A_254 = tpu.memref_slice %arg6[%dma_wait3A_240, %dma_wait3A_252, %dma_wait3A_253] : memref<5x160x128xf32, #tpu.memory_space<vmem>> -> memref<1x160x128xf32, #tpu.memory_space<vmem>>
    %dma_wait3A_255 = tpu.memref_squeeze %dma_wait3A_254 : memref<1x160x128xf32, #tpu.memory_space<vmem>> -> memref<160x128xf32, #tpu.memory_space<vmem>>
    tpu.wait_dma2 semaphore(%dma_wait3A_249 : memref<!tpu.dma_semaphore, #tpu.memory_space<semaphore_mem>>) src(%dma_wait3A_255 : memref<160x128xf32, #tpu.memory_space<vmem>>) dst(%dma_wait3A_251 : memref<160x128xf32, #tpu.memory_space<hbm>>)
    %multiple_of3A_256 = arith.constant 960 : i32
    %multiple_of3A_257 = tpu.assume_multiple %multiple_of3A_256, 160 : i32
    %dma_start3A_258 = arith.constant 1 : i32
    %dma_start3A_259 = arith.constant 1 : i32
    %dma_start3A_260 = arith.constant 0 : i32
    %dma_start3A_261 = arith.constant 0 : i32
    %dma_start3A_262 = tpu.memref_slice %arg6[%dma_start3A_258, %dma_start3A_260, %dma_start3A_261] : memref<5x160x128xf32, #tpu.memory_space<vmem>> -> memref<1x160x128xf32, #tpu.memory_space<vmem>>
    %dma_start3A_263 = tpu.memref_squeeze %dma_start3A_262 : memref<1x160x128xf32, #tpu.memory_space<vmem>> -> memref<160x128xf32, #tpu.memory_space<vmem>>
    %dma_start3A_264 = tpu.memref_slice %arg5[%multiple_of3A_257] : memref<25600xi32, #tpu.memory_space<vmem>> -> memref<160xi32, #tpu.memory_space<vmem>>
    %dma_start3A_265 = arith.constant 0 : i32
    %dma_start3A_266 = arith.constant 0 : i32
    %dma_start3A_267 = tpu.memref_slice %arg7[%dma_start3A_265, %dma_start3A_266] : memref<100x128xf32, #tpu.memory_space<vmem_shared>> -> memref<100x128xf32, #tpu.memory_space<vmem_shared>>
    %dma_start3A_268 = tpu.memref_slice %arg8[%dma_start3A_259] : memref<5x!tpu.dma_semaphore, #tpu.memory_space<semaphore_mem>> -> memref<1x!tpu.dma_semaphore, #tpu.memory_space<semaphore_mem>>
    %dma_start3A_269 = tpu.memref_squeeze %dma_start3A_268 : memref<1x!tpu.dma_semaphore, #tpu.memory_space<semaphore_mem>> -> memref<!tpu.dma_semaphore, #tpu.memory_space<semaphore_mem>>
    tpu.enqueue_indirect_dma source(%dma_start3A_267 : memref<100x128xf32, #tpu.memory_space<vmem_shared>>) target(%dma_start3A_263 : memref<160x128xf32, #tpu.memory_space<vmem>>) offsets(%dma_start3A_264 : memref<160xi32, #tpu.memory_space<vmem>>) semaphore(%dma_start3A_269 : memref<!tpu.dma_semaphore, #tpu.memory_space<semaphore_mem>>)
    %multiple_of3A_270 = arith.constant 640 : i32
    %multiple_of3A_271 = tpu.assume_multiple %multiple_of3A_270, 160 : i32
    %dma_wait3A_272 = arith.constant 4 : i32
    %dma_wait3A_273 = arith.constant 4 : i32
    %dma_wait3A_274 = arith.constant 0 : i32
    %dma_wait3A_275 = arith.constant 0 : i32
    %dma_wait3A_276 = tpu.memref_slice %arg6[%dma_wait3A_272, %dma_wait3A_274, %dma_wait3A_275] : memref<5x160x128xf32, #tpu.memory_space<vmem>> -> memref<1x160x128xf32, #tpu.memory_space<vmem>>
    %dma_wait3A_277 = tpu.memref_squeeze %dma_wait3A_276 : memref<1x160x128xf32, #tpu.memory_space<vmem>> -> memref<160x128xf32, #tpu.memory_space<vmem>>
    %dma_wait3A_278 = tpu.memref_slice %arg5[%multiple_of3A_271] : memref<25600xi32, #tpu.memory_space<vmem>> -> memref<160xi32, #tpu.memory_space<vmem>>
    %dma_wait3A_279 = arith.constant 0 : i32
    %dma_wait3A_280 = arith.constant 0 : i32
    %dma_wait3A_281 = tpu.memref_slice %arg7[%dma_wait3A_279, %dma_wait3A_280] : memref<100x128xf32, #tpu.memory_space<vmem_shared>> -> memref<100x128xf32, #tpu.memory_space<vmem_shared>>
    %dma_wait3A_282 = tpu.memref_slice %arg8[%dma_wait3A_273] : memref<5x!tpu.dma_semaphore, #tpu.memory_space<semaphore_mem>> -> memref<1x!tpu.dma_semaphore, #tpu.memory_space<semaphore_mem>>
    %dma_wait3A_283 = tpu.memref_squeeze %dma_wait3A_282 : memref<1x!tpu.dma_semaphore, #tpu.memory_space<semaphore_mem>> -> memref<!tpu.dma_semaphore, #tpu.memory_space<semaphore_mem>>
    tpu.wait_indirect_dma semaphore(%dma_wait3A_283 : memref<!tpu.dma_semaphore, #tpu.memory_space<semaphore_mem>>) src(%dma_wait3A_281 : memref<100x128xf32, #tpu.memory_space<vmem_shared>>) dst(%dma_wait3A_277 : memref<160x128xf32, #tpu.memory_space<vmem>>)
    %multiple_of3A_284 = arith.constant 640 : i32
    %multiple_of3A_285 = tpu.assume_multiple %multiple_of3A_284, 160 : i32
    %add3A_286 = arith.addi %mul3A_2, %multiple_of3A_285 : i32
    %dma_start3A_287 = arith.constant 4 : i32
    %dma_start3A_288 = arith.constant 4 : i32
    %dma_start3A_289 = arith.constant 0 : i32
    %dma_start3A_290 = arith.constant 0 : i32
    %dma_start3A_291 = tpu.memref_slice %arg6[%dma_start3A_287, %dma_start3A_289, %dma_start3A_290] : memref<5x160x128xf32, #tpu.memory_space<vmem>> -> memref<1x160x128xf32, #tpu.memory_space<vmem>>
    %dma_start3A_292 = tpu.memref_squeeze %dma_start3A_291 : memref<1x160x128xf32, #tpu.memory_space<vmem>> -> memref<160x128xf32, #tpu.memory_space<vmem>>
    %dma_start3A_293 = arith.constant 0 : i32
    %dma_start3A_294 = tpu.memref_slice %arg4[%add3A_286, %dma_start3A_293] : memref<819200x128xf32, #tpu.memory_space<hbm>> -> memref<160x128xf32, #tpu.memory_space<hbm>>
    %dma_start3A_295 = tpu.memref_slice %arg9[%dma_start3A_288] : memref<5x!tpu.dma_semaphore, #tpu.memory_space<semaphore_mem>> -> memref<1x!tpu.dma_semaphore, #tpu.memory_space<semaphore_mem>>
    %dma_start3A_296 = tpu.memref_squeeze %dma_start3A_295 : memref<1x!tpu.dma_semaphore, #tpu.memory_space<semaphore_mem>> -> memref<!tpu.dma_semaphore, #tpu.memory_space<semaphore_mem>>
    %dma_start3A_297 = arith.constant 0 : i32
    %dma_start3A_298 = tpu.memref_slice %arg4[%add3A_286, %dma_start3A_297] : memref<819200x128xf32, #tpu.memory_space<hbm>> -> memref<160x128xf32, #tpu.memory_space<hbm>>
    %dma_start3A_299 = arith.constant 0 : i32
    %dma_start3A_300 = arith.constant 0 : i32
    %dma_start3A_301 = tpu.memref_slice %arg6[%dma_start3A_287, %dma_start3A_299, %dma_start3A_300] : memref<5x160x128xf32, #tpu.memory_space<vmem>> -> memref<1x160x128xf32, #tpu.memory_space<vmem>>
    %dma_start3A_302 = tpu.memref_squeeze %dma_start3A_301 : memref<1x160x128xf32, #tpu.memory_space<vmem>> -> memref<160x128xf32, #tpu.memory_space<vmem>>
    tpu.enqueue_dma source(%dma_start3A_302 : memref<160x128xf32, #tpu.memory_space<vmem>>) target(%dma_start3A_298 : memref<160x128xf32, #tpu.memory_space<hbm>>) target_semaphore(%dma_start3A_296 : memref<!tpu.dma_semaphore, #tpu.memory_space<semaphore_mem>>)
    %scan3A = arith.constant 0 : i32
    %scan3A_303 = arith.constant 1 : i32
    %scan3A_304 = arith.constant 30 : i32
    %scan3A_305 = arith.addi %scan3A_303, %scan3A_304 : i32
    %scan3A_306 = arith.constant 1 : i32
    scf.for %scan3A_667 = %scan3A_303 to %scan3A_305 step %scan3A_306  : i32 {
      %mul3A_668 = arith.constant 5 : i32
      %mul3A_669 = arith.muli %scan3A_667, %mul3A_668 : i32
      %add3A_670 = arith.constant 0 : i32
      %add3A_671 = arith.addi %mul3A_669, %add3A_670 : i32
      %add3A_672 = arith.constant 2 : i32
      %add3A_673 = arith.addi %add3A_671, %add3A_672 : i32
      %sub3A = arith.constant 5 : i32
      %sub3A_674 = arith.subi %add3A_673, %sub3A : i32
      %mul3A_675 = arith.constant 160 : i32
      %mul3A_676 = arith.muli %sub3A_674, %mul3A_675 : i32
      %multiple_of3A_677 = tpu.assume_multiple %mul3A_676, 160 : i32
      %add3A_678 = arith.addi %mul3A_2, %multiple_of3A_677 : i32
      %dma_wait3A_679 = arith.constant 2 : i32
      %dma_wait3A_680 = arith.constant 2 : i32
      %dma_wait3A_681 = arith.constant 0 : i32
      %dma_wait3A_682 = arith.constant 0 : i32
      %dma_wait3A_683 = tpu.memref_slice %arg6[%dma_wait3A_679, %dma_wait3A_681, %dma_wait3A_682] : memref<5x160x128xf32, #tpu.memory_space<vmem>> -> memref<1x160x128xf32, #tpu.memory_space<vmem>>
      %dma_wait3A_684 = tpu.memref_squeeze %dma_wait3A_683 : memref<1x160x128xf32, #tpu.memory_space<vmem>> -> memref<160x128xf32, #tpu.memory_space<vmem>>
      %dma_wait3A_685 = arith.constant 0 : i32
      %dma_wait3A_686 = tpu.memref_slice %arg4[%add3A_678, %dma_wait3A_685] : memref<819200x128xf32, #tpu.memory_space<hbm>> -> memref<160x128xf32, #tpu.memory_space<hbm>>
      %dma_wait3A_687 = tpu.memref_slice %arg9[%dma_wait3A_680] : memref<5x!tpu.dma_semaphore, #tpu.memory_space<semaphore_mem>> -> memref<1x!tpu.dma_semaphore, #tpu.memory_space<semaphore_mem>>
      %dma_wait3A_688 = tpu.memref_squeeze %dma_wait3A_687 : memref<1x!tpu.dma_semaphore, #tpu.memory_space<semaphore_mem>> -> memref<!tpu.dma_semaphore, #tpu.memory_space<semaphore_mem>>
      %dma_wait3A_689 = arith.constant 0 : i32
      %dma_wait3A_690 = tpu.memref_slice %arg4[%add3A_678, %dma_wait3A_689] : memref<819200x128xf32, #tpu.memory_space<hbm>> -> memref<160x128xf32, #tpu.memory_space<hbm>>
      %dma_wait3A_691 = arith.constant 0 : i32
      %dma_wait3A_692 = arith.constant 0 : i32
      %dma_wait3A_693 = tpu.memref_slice %arg6[%dma_wait3A_679, %dma_wait3A_691, %dma_wait3A_692] : memref<5x160x128xf32, #tpu.memory_space<vmem>> -> memref<1x160x128xf32, #tpu.memory_space<vmem>>
      %dma_wait3A_694 = tpu.memref_squeeze %dma_wait3A_693 : memref<1x160x128xf32, #tpu.memory_space<vmem>> -> memref<160x128xf32, #tpu.memory_space<vmem>>
      tpu.wait_dma2 semaphore(%dma_wait3A_688 : memref<!tpu.dma_semaphore, #tpu.memory_space<semaphore_mem>>) src(%dma_wait3A_694 : memref<160x128xf32, #tpu.memory_space<vmem>>) dst(%dma_wait3A_690 : memref<160x128xf32, #tpu.memory_space<hbm>>)
      %add3A_695 = arith.constant 2 : i32
      %add3A_696 = arith.addi %add3A_671, %add3A_695 : i32
      %mul3A_697 = arith.constant 160 : i32
      %mul3A_698 = arith.muli %add3A_696, %mul3A_697 : i32
      %multiple_of3A_699 = tpu.assume_multiple %mul3A_698, 160 : i32
      %dma_start3A_700 = arith.constant 2 : i32
      %dma_start3A_701 = arith.constant 2 : i32
      %dma_start3A_702 = arith.constant 0 : i32
      %dma_start3A_703 = arith.constant 0 : i32
      %dma_start3A_704 = tpu.memref_slice %arg6[%dma_start3A_700, %dma_start3A_702, %dma_start3A_703] : memref<5x160x128xf32, #tpu.memory_space<vmem>> -> memref<1x160x128xf32, #tpu.memory_space<vmem>>
      %dma_start3A_705 = tpu.memref_squeeze %dma_start3A_704 : memref<1x160x128xf32, #tpu.memory_space<vmem>> -> memref<160x128xf32, #tpu.memory_space<vmem>>
      %dma_start3A_706 = tpu.memref_slice %arg5[%multiple_of3A_699] : memref<25600xi32, #tpu.memory_space<vmem>> -> memref<160xi32, #tpu.memory_space<vmem>>
      %dma_start3A_707 = arith.constant 0 : i32
      %dma_start3A_708 = arith.constant 0 : i32
      %dma_start3A_709 = tpu.memref_slice %arg7[%dma_start3A_707, %dma_start3A_708] : memref<100x128xf32, #tpu.memory_space<vmem_shared>> -> memref<100x128xf32, #tpu.memory_space<vmem_shared>>
      %dma_start3A_710 = tpu.memref_slice %arg8[%dma_start3A_701] : memref<5x!tpu.dma_semaphore, #tpu.memory_space<semaphore_mem>> -> memref<1x!tpu.dma_semaphore, #tpu.memory_space<semaphore_mem>>
      %dma_start3A_711 = tpu.memref_squeeze %dma_start3A_710 : memref<1x!tpu.dma_semaphore, #tpu.memory_space<semaphore_mem>> -> memref<!tpu.dma_semaphore, #tpu.memory_space<semaphore_mem>>
      tpu.enqueue_indirect_dma source(%dma_start3A_709 : memref<100x128xf32, #tpu.memory_space<vmem_shared>>) target(%dma_start3A_705 : memref<160x128xf32, #tpu.memory_space<vmem>>) offsets(%dma_start3A_706 : memref<160xi32, #tpu.memory_space<vmem>>) semaphore(%dma_start3A_711 : memref<!tpu.dma_semaphore, #tpu.memory_space<semaphore_mem>>)
      %mul3A_712 = arith.constant 160 : i32
      %mul3A_713 = arith.muli %add3A_671, %mul3A_712 : i32
      %multiple_of3A_714 = tpu.assume_multiple %mul3A_713, 160 : i32
      %dma_wait3A_715 = arith.constant 0 : i32
      %dma_wait3A_716 = arith.constant 0 : i32
      %dma_wait3A_717 = arith.constant 0 : i32
      %dma_wait3A_718 = arith.constant 0 : i32
      %dma_wait3A_719 = tpu.memref_slice %arg6[%dma_wait3A_715, %dma_wait3A_717, %dma_wait3A_718] : memref<5x160x128xf32, #tpu.memory_space<vmem>> -> memref<1x160x128xf32, #tpu.memory_space<vmem>>
      %dma_wait3A_720 = tpu.memref_squeeze %dma_wait3A_719 : memref<1x160x128xf32, #tpu.memory_space<vmem>> -> memref<160x128xf32, #tpu.memory_space<vmem>>
      %dma_wait3A_721 = tpu.memref_slice %arg5[%multiple_of3A_714] : memref<25600xi32, #tpu.memory_space<vmem>> -> memref<160xi32, #tpu.memory_space<vmem>>
      %dma_wait3A_722 = arith.constant 0 : i32
      %dma_wait3A_723 = arith.constant 0 : i32
      %dma_wait3A_724 = tpu.memref_slice %arg7[%dma_wait3A_722, %dma_wait3A_723] : memref<100x128xf32, #tpu.memory_space<vmem_shared>> -> memref<100x128xf32, #tpu.memory_space<vmem_shared>>
      %dma_wait3A_725 = tpu.memref_slice %arg8[%dma_wait3A_716] : memref<5x!tpu.dma_semaphore, #tpu.memory_space<semaphore_mem>> -> memref<1x!tpu.dma_semaphore, #tpu.memory_space<semaphore_mem>>
      %dma_wait3A_726 = tpu.memref_squeeze %dma_wait3A_725 : memref<1x!tpu.dma_semaphore, #tpu.memory_space<semaphore_mem>> -> memref<!tpu.dma_semaphore, #tpu.memory_space<semaphore_mem>>
      tpu.wait_indirect_dma semaphore(%dma_wait3A_726 : memref<!tpu.dma_semaphore, #tpu.memory_space<semaphore_mem>>) src(%dma_wait3A_724 : memref<100x128xf32, #tpu.memory_space<vmem_shared>>) dst(%dma_wait3A_720 : memref<160x128xf32, #tpu.memory_space<vmem>>)
      %mul3A_727 = arith.constant 160 : i32
      %mul3A_728 = arith.muli %add3A_671, %mul3A_727 : i32
      %multiple_of3A_729 = tpu.assume_multiple %mul3A_728, 160 : i32
      %add3A_730 = arith.addi %mul3A_2, %multiple_of3A_729 : i32
      %dma_start3A_731 = arith.constant 0 : i32
      %dma_start3A_732 = arith.constant 0 : i32
      %dma_start3A_733 = arith.constant 0 : i32
      %dma_start3A_734 = arith.constant 0 : i32
      %dma_start3A_735 = tpu.memref_slice %arg6[%dma_start3A_731, %dma_start3A_733, %dma_start3A_734] : memref<5x160x128xf32, #tpu.memory_space<vmem>> -> memref<1x160x128xf32, #tpu.memory_space<vmem>>
      %dma_start3A_736 = tpu.memref_squeeze %dma_start3A_735 : memref<1x160x128xf32, #tpu.memory_space<vmem>> -> memref<160x128xf32, #tpu.memory_space<vmem>>
      %dma_start3A_737 = arith.constant 0 : i32
      %dma_start3A_738 = tpu.memref_slice %arg4[%add3A_730, %dma_start3A_737] : memref<819200x128xf32, #tpu.memory_space<hbm>> -> memref<160x128xf32, #tpu.memory_space<hbm>>
      %dma_start3A_739 = tpu.memref_slice %arg9[%dma_start3A_732] : memref<5x!tpu.dma_semaphore, #tpu.memory_space<semaphore_mem>> -> memref<1x!tpu.dma_semaphore, #tpu.memory_space<semaphore_mem>>
      %dma_start3A_740 = tpu.memref_squeeze %dma_start3A_739 : memref<1x!tpu.dma_semaphore, #tpu.memory_space<semaphore_mem>> -> memref<!tpu.dma_semaphore, #tpu.memory_space<semaphore_mem>>
      %dma_start3A_741 = arith.constant 0 : i32
      %dma_start3A_742 = tpu.memref_slice %arg4[%add3A_730, %dma_start3A_741] : memref<819200x128xf32, #tpu.memory_space<hbm>> -> memref<160x128xf32, #tpu.memory_space<hbm>>
      %dma_start3A_743 = arith.constant 0 : i32
      %dma_start3A_744 = arith.constant 0 : i32
      %dma_start3A_745 = tpu.memref_slice %arg6[%dma_start3A_731, %dma_start3A_743, %dma_start3A_744] : memref<5x160x128xf32, #tpu.memory_space<vmem>> -> memref<1x160x128xf32, #tpu.memory_space<vmem>>
      %dma_start3A_746 = tpu.memref_squeeze %dma_start3A_745 : memref<1x160x128xf32, #tpu.memory_space<vmem>> -> memref<160x128xf32, #tpu.memory_space<vmem>>
      tpu.enqueue_dma source(%dma_start3A_746 : memref<160x128xf32, #tpu.memory_space<vmem>>) target(%dma_start3A_742 : memref<160x128xf32, #tpu.memory_space<hbm>>) target_semaphore(%dma_start3A_740 : memref<!tpu.dma_semaphore, #tpu.memory_space<semaphore_mem>>)
      %add3A_747 = arith.constant 1 : i32
      %add3A_748 = arith.addi %mul3A_669, %add3A_747 : i32
      %add3A_749 = arith.constant 2 : i32
      %add3A_750 = arith.addi %add3A_748, %add3A_749 : i32
      %sub3A_751 = arith.constant 5 : i32
      %sub3A_752 = arith.subi %add3A_750, %sub3A_751 : i32
      %mul3A_753 = arith.constant 160 : i32
      %mul3A_754 = arith.muli %sub3A_752, %mul3A_753 : i32
      %multiple_of3A_755 = tpu.assume_multiple %mul3A_754, 160 : i32
      %add3A_756 = arith.addi %mul3A_2, %multiple_of3A_755 : i32
      %dma_wait3A_757 = arith.constant 3 : i32
      %dma_wait3A_758 = arith.constant 3 : i32
      %dma_wait3A_759 = arith.constant 0 : i32
      %dma_wait3A_760 = arith.constant 0 : i32
      %dma_wait3A_761 = tpu.memref_slice %arg6[%dma_wait3A_757, %dma_wait3A_759, %dma_wait3A_760] : memref<5x160x128xf32, #tpu.memory_space<vmem>> -> memref<1x160x128xf32, #tpu.memory_space<vmem>>
      %dma_wait3A_762 = tpu.memref_squeeze %dma_wait3A_761 : memref<1x160x128xf32, #tpu.memory_space<vmem>> -> memref<160x128xf32, #tpu.memory_space<vmem>>
      %dma_wait3A_763 = arith.constant 0 : i32
      %dma_wait3A_764 = tpu.memref_slice %arg4[%add3A_756, %dma_wait3A_763] : memref<819200x128xf32, #tpu.memory_space<hbm>> -> memref<160x128xf32, #tpu.memory_space<hbm>>
      %dma_wait3A_765 = tpu.memref_slice %arg9[%dma_wait3A_758] : memref<5x!tpu.dma_semaphore, #tpu.memory_space<semaphore_mem>> -> memref<1x!tpu.dma_semaphore, #tpu.memory_space<semaphore_mem>>
      %dma_wait3A_766 = tpu.memref_squeeze %dma_wait3A_765 : memref<1x!tpu.dma_semaphore, #tpu.memory_space<semaphore_mem>> -> memref<!tpu.dma_semaphore, #tpu.memory_space<semaphore_mem>>
      %dma_wait3A_767 = arith.constant 0 : i32
      %dma_wait3A_768 = tpu.memref_slice %arg4[%add3A_756, %dma_wait3A_767] : memref<819200x128xf32, #tpu.memory_space<hbm>> -> memref<160x128xf32, #tpu.memory_space<hbm>>
      %dma_wait3A_769 = arith.constant 0 : i32
      %dma_wait3A_770 = arith.constant 0 : i32
      %dma_wait3A_771 = tpu.memref_slice %arg6[%dma_wait3A_757, %dma_wait3A_769, %dma_wait3A_770] : memref<5x160x128xf32, #tpu.memory_space<vmem>> -> memref<1x160x128xf32, #tpu.memory_space<vmem>>
      %dma_wait3A_772 = tpu.memref_squeeze %dma_wait3A_771 : memref<1x160x128xf32, #tpu.memory_space<vmem>> -> memref<160x128xf32, #tpu.memory_space<vmem>>
      tpu.wait_dma2 semaphore(%dma_wait3A_766 : memref<!tpu.dma_semaphore, #tpu.memory_space<semaphore_mem>>) src(%dma_wait3A_772 : memref<160x128xf32, #tpu.memory_space<vmem>>) dst(%dma_wait3A_768 : memref<160x128xf32, #tpu.memory_space<hbm>>)
      %add3A_773 = arith.constant 2 : i32
      %add3A_774 = arith.addi %add3A_748, %add3A_773 : i32
      %mul3A_775 = arith.constant 160 : i32
      %mul3A_776 = arith.muli %add3A_774, %mul3A_775 : i32
      %multiple_of3A_777 = tpu.assume_multiple %mul3A_776, 160 : i32
      %dma_start3A_778 = arith.constant 3 : i32
      %dma_start3A_779 = arith.constant 3 : i32
      %dma_start3A_780 = arith.constant 0 : i32
      %dma_start3A_781 = arith.constant 0 : i32
      %dma_start3A_782 = tpu.memref_slice %arg6[%dma_start3A_778, %dma_start3A_780, %dma_start3A_781] : memref<5x160x128xf32, #tpu.memory_space<vmem>> -> memref<1x160x128xf32, #tpu.memory_space<vmem>>
      %dma_start3A_783 = tpu.memref_squeeze %dma_start3A_782 : memref<1x160x128xf32, #tpu.memory_space<vmem>> -> memref<160x128xf32, #tpu.memory_space<vmem>>
      %dma_start3A_784 = tpu.memref_slice %arg5[%multiple_of3A_777] : memref<25600xi32, #tpu.memory_space<vmem>> -> memref<160xi32, #tpu.memory_space<vmem>>
      %dma_start3A_785 = arith.constant 0 : i32
      %dma_start3A_786 = arith.constant 0 : i32
      %dma_start3A_787 = tpu.memref_slice %arg7[%dma_start3A_785, %dma_start3A_786] : memref<100x128xf32, #tpu.memory_space<vmem_shared>> -> memref<100x128xf32, #tpu.memory_space<vmem_shared>>
      %dma_start3A_788 = tpu.memref_slice %arg8[%dma_start3A_779] : memref<5x!tpu.dma_semaphore, #tpu.memory_space<semaphore_mem>> -> memref<1x!tpu.dma_semaphore, #tpu.memory_space<semaphore_mem>>
      %dma_start3A_789 = tpu.memref_squeeze %dma_start3A_788 : memref<1x!tpu.dma_semaphore, #tpu.memory_space<semaphore_mem>> -> memref<!tpu.dma_semaphore, #tpu.memory_space<semaphore_mem>>
      tpu.enqueue_indirect_dma source(%dma_start3A_787 : memref<100x128xf32, #tpu.memory_space<vmem_shared>>) target(%dma_start3A_783 : memref<160x128xf32, #tpu.memory_space<vmem>>) offsets(%dma_start3A_784 : memref<160xi32, #tpu.memory_space<vmem>>) semaphore(%dma_start3A_789 : memref<!tpu.dma_semaphore, #tpu.memory_space<semaphore_mem>>)
      %mul3A_790 = arith.constant 160 : i32
      %mul3A_791 = arith.muli %add3A_748, %mul3A_790 : i32
      %multiple_of3A_792 = tpu.assume_multiple %mul3A_791, 160 : i32
      %dma_wait3A_793 = arith.constant 1 : i32
      %dma_wait3A_794 = arith.constant 1 : i32
      %dma_wait3A_795 = arith.constant 0 : i32
      %dma_wait3A_796 = arith.constant 0 : i32
      %dma_wait3A_797 = tpu.memref_slice %arg6[%dma_wait3A_793, %dma_wait3A_795, %dma_wait3A_796] : memref<5x160x128xf32, #tpu.memory_space<vmem>> -> memref<1x160x128xf32, #tpu.memory_space<vmem>>
      %dma_wait3A_798 = tpu.memref_squeeze %dma_wait3A_797 : memref<1x160x128xf32, #tpu.memory_space<vmem>> -> memref<160x128xf32, #tpu.memory_space<vmem>>
      %dma_wait3A_799 = tpu.memref_slice %arg5[%multiple_of3A_792] : memref<25600xi32, #tpu.memory_space<vmem>> -> memref<160xi32, #tpu.memory_space<vmem>>
      %dma_wait3A_800 = arith.constant 0 : i32
      %dma_wait3A_801 = arith.constant 0 : i32
      %dma_wait3A_802 = tpu.memref_slice %arg7[%dma_wait3A_800, %dma_wait3A_801] : memref<100x128xf32, #tpu.memory_space<vmem_shared>> -> memref<100x128xf32, #tpu.memory_space<vmem_shared>>
      %dma_wait3A_803 = tpu.memref_slice %arg8[%dma_wait3A_794] : memref<5x!tpu.dma_semaphore, #tpu.memory_space<semaphore_mem>> -> memref<1x!tpu.dma_semaphore, #tpu.memory_space<semaphore_mem>>
      %dma_wait3A_804 = tpu.memref_squeeze %dma_wait3A_803 : memref<1x!tpu.dma_semaphore, #tpu.memory_space<semaphore_mem>> -> memref<!tpu.dma_semaphore, #tpu.memory_space<semaphore_mem>>
      tpu.wait_indirect_dma semaphore(%dma_wait3A_804 : memref<!tpu.dma_semaphore, #tpu.memory_space<semaphore_mem>>) src(%dma_wait3A_802 : memref<100x128xf32, #tpu.memory_space<vmem_shared>>) dst(%dma_wait3A_798 : memref<160x128xf32, #tpu.memory_space<vmem>>)
      %mul3A_805 = arith.constant 160 : i32
      %mul3A_806 = arith.muli %add3A_748, %mul3A_805 : i32
      %multiple_of3A_807 = tpu.assume_multiple %mul3A_806, 160 : i32
      %add3A_808 = arith.addi %mul3A_2, %multiple_of3A_807 : i32
      %dma_start3A_809 = arith.constant 1 : i32
      %dma_start3A_810 = arith.constant 1 : i32
      %dma_start3A_811 = arith.constant 0 : i32
      %dma_start3A_812 = arith.constant 0 : i32
      %dma_start3A_813 = tpu.memref_slice %arg6[%dma_start3A_809, %dma_start3A_811, %dma_start3A_812] : memref<5x160x128xf32, #tpu.memory_space<vmem>> -> memref<1x160x128xf32, #tpu.memory_space<vmem>>
      %dma_start3A_814 = tpu.memref_squeeze %dma_start3A_813 : memref<1x160x128xf32, #tpu.memory_space<vmem>> -> memref<160x128xf32, #tpu.memory_space<vmem>>
      %dma_start3A_815 = arith.constant 0 : i32
      %dma_start3A_816 = tpu.memref_slice %arg4[%add3A_808, %dma_start3A_815] : memref<819200x128xf32, #tpu.memory_space<hbm>> -> memref<160x128xf32, #tpu.memory_space<hbm>>
      %dma_start3A_817 = tpu.memref_slice %arg9[%dma_start3A_810] : memref<5x!tpu.dma_semaphore, #tpu.memory_space<semaphore_mem>> -> memref<1x!tpu.dma_semaphore, #tpu.memory_space<semaphore_mem>>
      %dma_start3A_818 = tpu.memref_squeeze %dma_start3A_817 : memref<1x!tpu.dma_semaphore, #tpu.memory_space<semaphore_mem>> -> memref<!tpu.dma_semaphore, #tpu.memory_space<semaphore_mem>>
      %dma_start3A_819 = arith.constant 0 : i32
      %dma_start3A_820 = tpu.memref_slice %arg4[%add3A_808, %dma_start3A_819] : memref<819200x128xf32, #tpu.memory_space<hbm>> -> memref<160x128xf32, #tpu.memory_space<hbm>>
      %dma_start3A_821 = arith.constant 0 : i32
      %dma_start3A_822 = arith.constant 0 : i32
      %dma_start3A_823 = tpu.memref_slice %arg6[%dma_start3A_809, %dma_start3A_821, %dma_start3A_822] : memref<5x160x128xf32, #tpu.memory_space<vmem>> -> memref<1x160x128xf32, #tpu.memory_space<vmem>>
      %dma_start3A_824 = tpu.memref_squeeze %dma_start3A_823 : memref<1x160x128xf32, #tpu.memory_space<vmem>> -> memref<160x128xf32, #tpu.memory_space<vmem>>
      tpu.enqueue_dma source(%dma_start3A_824 : memref<160x128xf32, #tpu.memory_space<vmem>>) target(%dma_start3A_820 : memref<160x128xf32, #tpu.memory_space<hbm>>) target_semaphore(%dma_start3A_818 : memref<!tpu.dma_semaphore, #tpu.memory_space<semaphore_mem>>)
      %add3A_825 = arith.constant 2 : i32
      %add3A_826 = arith.addi %mul3A_669, %add3A_825 : i32
      %add3A_827 = arith.constant 2 : i32
      %add3A_828 = arith.addi %add3A_826, %add3A_827 : i32
      %sub3A_829 = arith.constant 5 : i32
      %sub3A_830 = arith.subi %add3A_828, %sub3A_829 : i32
      %mul3A_831 = arith.constant 160 : i32
      %mul3A_832 = arith.muli %sub3A_830, %mul3A_831 : i32
      %multiple_of3A_833 = tpu.assume_multiple %mul3A_832, 160 : i32
      %add3A_834 = arith.addi %mul3A_2, %multiple_of3A_833 : i32
      %dma_wait3A_835 = arith.constant 4 : i32
      %dma_wait3A_836 = arith.constant 4 : i32
      %dma_wait3A_837 = arith.constant 0 : i32
      %dma_wait3A_838 = arith.constant 0 : i32
      %dma_wait3A_839 = tpu.memref_slice %arg6[%dma_wait3A_835, %dma_wait3A_837, %dma_wait3A_838] : memref<5x160x128xf32, #tpu.memory_space<vmem>> -> memref<1x160x128xf32, #tpu.memory_space<vmem>>
      %dma_wait3A_840 = tpu.memref_squeeze %dma_wait3A_839 : memref<1x160x128xf32, #tpu.memory_space<vmem>> -> memref<160x128xf32, #tpu.memory_space<vmem>>
      %dma_wait3A_841 = arith.constant 0 : i32
      %dma_wait3A_842 = tpu.memref_slice %arg4[%add3A_834, %dma_wait3A_841] : memref<819200x128xf32, #tpu.memory_space<hbm>> -> memref<160x128xf32, #tpu.memory_space<hbm>>
      %dma_wait3A_843 = tpu.memref_slice %arg9[%dma_wait3A_836] : memref<5x!tpu.dma_semaphore, #tpu.memory_space<semaphore_mem>> -> memref<1x!tpu.dma_semaphore, #tpu.memory_space<semaphore_mem>>
      %dma_wait3A_844 = tpu.memref_squeeze %dma_wait3A_843 : memref<1x!tpu.dma_semaphore, #tpu.memory_space<semaphore_mem>> -> memref<!tpu.dma_semaphore, #tpu.memory_space<semaphore_mem>>
      %dma_wait3A_845 = arith.constant 0 : i32
      %dma_wait3A_846 = tpu.memref_slice %arg4[%add3A_834, %dma_wait3A_845] : memref<819200x128xf32, #tpu.memory_space<hbm>> -> memref<160x128xf32, #tpu.memory_space<hbm>>
      %dma_wait3A_847 = arith.constant 0 : i32
      %dma_wait3A_848 = arith.constant 0 : i32
      %dma_wait3A_849 = tpu.memref_slice %arg6[%dma_wait3A_835, %dma_wait3A_847, %dma_wait3A_848] : memref<5x160x128xf32, #tpu.memory_space<vmem>> -> memref<1x160x128xf32, #tpu.memory_space<vmem>>
      %dma_wait3A_850 = tpu.memref_squeeze %dma_wait3A_849 : memref<1x160x128xf32, #tpu.memory_space<vmem>> -> memref<160x128xf32, #tpu.memory_space<vmem>>
      tpu.wait_dma2 semaphore(%dma_wait3A_844 : memref<!tpu.dma_semaphore, #tpu.memory_space<semaphore_mem>>) src(%dma_wait3A_850 : memref<160x128xf32, #tpu.memory_space<vmem>>) dst(%dma_wait3A_846 : memref<160x128xf32, #tpu.memory_space<hbm>>)
      %add3A_851 = arith.constant 2 : i32
      %add3A_852 = arith.addi %add3A_826, %add3A_851 : i32
      %mul3A_853 = arith.constant 160 : i32
      %mul3A_854 = arith.muli %add3A_852, %mul3A_853 : i32
      %multiple_of3A_855 = tpu.assume_multiple %mul3A_854, 160 : i32
      %dma_start3A_856 = arith.constant 4 : i32
      %dma_start3A_857 = arith.constant 4 : i32
      %dma_start3A_858 = arith.constant 0 : i32
      %dma_start3A_859 = arith.constant 0 : i32
      %dma_start3A_860 = tpu.memref_slice %arg6[%dma_start3A_856, %dma_start3A_858, %dma_start3A_859] : memref<5x160x128xf32, #tpu.memory_space<vmem>> -> memref<1x160x128xf32, #tpu.memory_space<vmem>>
      %dma_start3A_861 = tpu.memref_squeeze %dma_start3A_860 : memref<1x160x128xf32, #tpu.memory_space<vmem>> -> memref<160x128xf32, #tpu.memory_space<vmem>>
      %dma_start3A_862 = tpu.memref_slice %arg5[%multiple_of3A_855] : memref<25600xi32, #tpu.memory_space<vmem>> -> memref<160xi32, #tpu.memory_space<vmem>>
      %dma_start3A_863 = arith.constant 0 : i32
      %dma_start3A_864 = arith.constant 0 : i32
      %dma_start3A_865 = tpu.memref_slice %arg7[%dma_start3A_863, %dma_start3A_864] : memref<100x128xf32, #tpu.memory_space<vmem_shared>> -> memref<100x128xf32, #tpu.memory_space<vmem_shared>>
      %dma_start3A_866 = tpu.memref_slice %arg8[%dma_start3A_857] : memref<5x!tpu.dma_semaphore, #tpu.memory_space<semaphore_mem>> -> memref<1x!tpu.dma_semaphore, #tpu.memory_space<semaphore_mem>>
      %dma_start3A_867 = tpu.memref_squeeze %dma_start3A_866 : memref<1x!tpu.dma_semaphore, #tpu.memory_space<semaphore_mem>> -> memref<!tpu.dma_semaphore, #tpu.memory_space<semaphore_mem>>
      tpu.enqueue_indirect_dma source(%dma_start3A_865 : memref<100x128xf32, #tpu.memory_space<vmem_shared>>) target(%dma_start3A_861 : memref<160x128xf32, #tpu.memory_space<vmem>>) offsets(%dma_start3A_862 : memref<160xi32, #tpu.memory_space<vmem>>) semaphore(%dma_start3A_867 : memref<!tpu.dma_semaphore, #tpu.memory_space<semaphore_mem>>)
      %mul3A_868 = arith.constant 160 : i32
      %mul3A_869 = arith.muli %add3A_826, %mul3A_868 : i32
      %multiple_of3A_870 = tpu.assume_multiple %mul3A_869, 160 : i32
      %dma_wait3A_871 = arith.constant 2 : i32
      %dma_wait3A_872 = arith.constant 2 : i32
      %dma_wait3A_873 = arith.constant 0 : i32
      %dma_wait3A_874 = arith.constant 0 : i32
      %dma_wait3A_875 = tpu.memref_slice %arg6[%dma_wait3A_871, %dma_wait3A_873, %dma_wait3A_874] : memref<5x160x128xf32, #tpu.memory_space<vmem>> -> memref<1x160x128xf32, #tpu.memory_space<vmem>>
      %dma_wait3A_876 = tpu.memref_squeeze %dma_wait3A_875 : memref<1x160x128xf32, #tpu.memory_space<vmem>> -> memref<160x128xf32, #tpu.memory_space<vmem>>
      %dma_wait3A_877 = tpu.memref_slice %arg5[%multiple_of3A_870] : memref<25600xi32, #tpu.memory_space<vmem>> -> memref<160xi32, #tpu.memory_space<vmem>>
      %dma_wait3A_878 = arith.constant 0 : i32
      %dma_wait3A_879 = arith.constant 0 : i32
      %dma_wait3A_880 = tpu.memref_slice %arg7[%dma_wait3A_878, %dma_wait3A_879] : memref<100x128xf32, #tpu.memory_space<vmem_shared>> -> memref<100x128xf32, #tpu.memory_space<vmem_shared>>
      %dma_wait3A_881 = tpu.memref_slice %arg8[%dma_wait3A_872] : memref<5x!tpu.dma_semaphore, #tpu.memory_space<semaphore_mem>> -> memref<1x!tpu.dma_semaphore, #tpu.memory_space<semaphore_mem>>
      %dma_wait3A_882 = tpu.memref_squeeze %dma_wait3A_881 : memref<1x!tpu.dma_semaphore, #tpu.memory_space<semaphore_mem>> -> memref<!tpu.dma_semaphore, #tpu.memory_space<semaphore_mem>>
      tpu.wait_indirect_dma semaphore(%dma_wait3A_882 : memref<!tpu.dma_semaphore, #tpu.memory_space<semaphore_mem>>) src(%dma_wait3A_880 : memref<100x128xf32, #tpu.memory_space<vmem_shared>>) dst(%dma_wait3A_876 : memref<160x128xf32, #tpu.memory_space<vmem>>)
      %mul3A_883 = arith.constant 160 : i32
      %mul3A_884 = arith.muli %add3A_826, %mul3A_883 : i32
      %multiple_of3A_885 = tpu.assume_multiple %mul3A_884, 160 : i32
      %add3A_886 = arith.addi %mul3A_2, %multiple_of3A_885 : i32
      %dma_start3A_887 = arith.constant 2 : i32
      %dma_start3A_888 = arith.constant 2 : i32
      %dma_start3A_889 = arith.constant 0 : i32
      %dma_start3A_890 = arith.constant 0 : i32
      %dma_start3A_891 = tpu.memref_slice %arg6[%dma_start3A_887, %dma_start3A_889, %dma_start3A_890] : memref<5x160x128xf32, #tpu.memory_space<vmem>> -> memref<1x160x128xf32, #tpu.memory_space<vmem>>
      %dma_start3A_892 = tpu.memref_squeeze %dma_start3A_891 : memref<1x160x128xf32, #tpu.memory_space<vmem>> -> memref<160x128xf32, #tpu.memory_space<vmem>>
      %dma_start3A_893 = arith.constant 0 : i32
      %dma_start3A_894 = tpu.memref_slice %arg4[%add3A_886, %dma_start3A_893] : memref<819200x128xf32, #tpu.memory_space<hbm>> -> memref<160x128xf32, #tpu.memory_space<hbm>>
      %dma_start3A_895 = tpu.memref_slice %arg9[%dma_start3A_888] : memref<5x!tpu.dma_semaphore, #tpu.memory_space<semaphore_mem>> -> memref<1x!tpu.dma_semaphore, #tpu.memory_space<semaphore_mem>>
      %dma_start3A_896 = tpu.memref_squeeze %dma_start3A_895 : memref<1x!tpu.dma_semaphore, #tpu.memory_space<semaphore_mem>> -> memref<!tpu.dma_semaphore, #tpu.memory_space<semaphore_mem>>
      %dma_start3A_897 = arith.constant 0 : i32
      %dma_start3A_898 = tpu.memref_slice %arg4[%add3A_886, %dma_start3A_897] : memref<819200x128xf32, #tpu.memory_space<hbm>> -> memref<160x128xf32, #tpu.memory_space<hbm>>
      %dma_start3A_899 = arith.constant 0 : i32
      %dma_start3A_900 = arith.constant 0 : i32
      %dma_start3A_901 = tpu.memref_slice %arg6[%dma_start3A_887, %dma_start3A_899, %dma_start3A_900] : memref<5x160x128xf32, #tpu.memory_space<vmem>> -> memref<1x160x128xf32, #tpu.memory_space<vmem>>
      %dma_start3A_902 = tpu.memref_squeeze %dma_start3A_901 : memref<1x160x128xf32, #tpu.memory_space<vmem>> -> memref<160x128xf32, #tpu.memory_space<vmem>>
      tpu.enqueue_dma source(%dma_start3A_902 : memref<160x128xf32, #tpu.memory_space<vmem>>) target(%dma_start3A_898 : memref<160x128xf32, #tpu.memory_space<hbm>>) target_semaphore(%dma_start3A_896 : memref<!tpu.dma_semaphore, #tpu.memory_space<semaphore_mem>>)
      %add3A_903 = arith.constant 3 : i32
      %add3A_904 = arith.addi %mul3A_669, %add3A_903 : i32
      %add3A_905 = arith.constant 2 : i32
      %add3A_906 = arith.addi %add3A_904, %add3A_905 : i32
      %sub3A_907 = arith.constant 5 : i32
      %sub3A_908 = arith.subi %add3A_906, %sub3A_907 : i32
      %mul3A_909 = arith.constant 160 : i32
      %mul3A_910 = arith.muli %sub3A_908, %mul3A_909 : i32
      %multiple_of3A_911 = tpu.assume_multiple %mul3A_910, 160 : i32
      %add3A_912 = arith.addi %mul3A_2, %multiple_of3A_911 : i32
      %dma_wait3A_913 = arith.constant 0 : i32
      %dma_wait3A_914 = arith.constant 0 : i32
      %dma_wait3A_915 = arith.constant 0 : i32
      %dma_wait3A_916 = arith.constant 0 : i32
      %dma_wait3A_917 = tpu.memref_slice %arg6[%dma_wait3A_913, %dma_wait3A_915, %dma_wait3A_916] : memref<5x160x128xf32, #tpu.memory_space<vmem>> -> memref<1x160x128xf32, #tpu.memory_space<vmem>>
      %dma_wait3A_918 = tpu.memref_squeeze %dma_wait3A_917 : memref<1x160x128xf32, #tpu.memory_space<vmem>> -> memref<160x128xf32, #tpu.memory_space<vmem>>
      %dma_wait3A_919 = arith.constant 0 : i32
      %dma_wait3A_920 = tpu.memref_slice %arg4[%add3A_912, %dma_wait3A_919] : memref<819200x128xf32, #tpu.memory_space<hbm>> -> memref<160x128xf32, #tpu.memory_space<hbm>>
      %dma_wait3A_921 = tpu.memref_slice %arg9[%dma_wait3A_914] : memref<5x!tpu.dma_semaphore, #tpu.memory_space<semaphore_mem>> -> memref<1x!tpu.dma_semaphore, #tpu.memory_space<semaphore_mem>>
      %dma_wait3A_922 = tpu.memref_squeeze %dma_wait3A_921 : memref<1x!tpu.dma_semaphore, #tpu.memory_space<semaphore_mem>> -> memref<!tpu.dma_semaphore, #tpu.memory_space<semaphore_mem>>
      %dma_wait3A_923 = arith.constant 0 : i32
      %dma_wait3A_924 = tpu.memref_slice %arg4[%add3A_912, %dma_wait3A_923] : memref<819200x128xf32, #tpu.memory_space<hbm>> -> memref<160x128xf32, #tpu.memory_space<hbm>>
      %dma_wait3A_925 = arith.constant 0 : i32
      %dma_wait3A_926 = arith.constant 0 : i32
      %dma_wait3A_927 = tpu.memref_slice %arg6[%dma_wait3A_913, %dma_wait3A_925, %dma_wait3A_926] : memref<5x160x128xf32, #tpu.memory_space<vmem>> -> memref<1x160x128xf32, #tpu.memory_space<vmem>>
      %dma_wait3A_928 = tpu.memref_squeeze %dma_wait3A_927 : memref<1x160x128xf32, #tpu.memory_space<vmem>> -> memref<160x128xf32, #tpu.memory_space<vmem>>
      tpu.wait_dma2 semaphore(%dma_wait3A_922 : memref<!tpu.dma_semaphore, #tpu.memory_space<semaphore_mem>>) src(%dma_wait3A_928 : memref<160x128xf32, #tpu.memory_space<vmem>>) dst(%dma_wait3A_924 : memref<160x128xf32, #tpu.memory_space<hbm>>)
      %add3A_929 = arith.constant 2 : i32
      %add3A_930 = arith.addi %add3A_904, %add3A_929 : i32
      %mul3A_931 = arith.constant 160 : i32
      %mul3A_932 = arith.muli %add3A_930, %mul3A_931 : i32
      %multiple_of3A_933 = tpu.assume_multiple %mul3A_932, 160 : i32
      %dma_start3A_934 = arith.constant 0 : i32
      %dma_start3A_935 = arith.constant 0 : i32
      %dma_start3A_936 = arith.constant 0 : i32
      %dma_start3A_937 = arith.constant 0 : i32
      %dma_start3A_938 = tpu.memref_slice %arg6[%dma_start3A_934, %dma_start3A_936, %dma_start3A_937] : memref<5x160x128xf32, #tpu.memory_space<vmem>> -> memref<1x160x128xf32, #tpu.memory_space<vmem>>
      %dma_start3A_939 = tpu.memref_squeeze %dma_start3A_938 : memref<1x160x128xf32, #tpu.memory_space<vmem>> -> memref<160x128xf32, #tpu.memory_space<vmem>>
      %dma_start3A_940 = tpu.memref_slice %arg5[%multiple_of3A_933] : memref<25600xi32, #tpu.memory_space<vmem>> -> memref<160xi32, #tpu.memory_space<vmem>>
      %dma_start3A_941 = arith.constant 0 : i32
      %dma_start3A_942 = arith.constant 0 : i32
      %dma_start3A_943 = tpu.memref_slice %arg7[%dma_start3A_941, %dma_start3A_942] : memref<100x128xf32, #tpu.memory_space<vmem_shared>> -> memref<100x128xf32, #tpu.memory_space<vmem_shared>>
      %dma_start3A_944 = tpu.memref_slice %arg8[%dma_start3A_935] : memref<5x!tpu.dma_semaphore, #tpu.memory_space<semaphore_mem>> -> memref<1x!tpu.dma_semaphore, #tpu.memory_space<semaphore_mem>>
      %dma_start3A_945 = tpu.memref_squeeze %dma_start3A_944 : memref<1x!tpu.dma_semaphore, #tpu.memory_space<semaphore_mem>> -> memref<!tpu.dma_semaphore, #tpu.memory_space<semaphore_mem>>
      tpu.enqueue_indirect_dma source(%dma_start3A_943 : memref<100x128xf32, #tpu.memory_space<vmem_shared>>) target(%dma_start3A_939 : memref<160x128xf32, #tpu.memory_space<vmem>>) offsets(%dma_start3A_940 : memref<160xi32, #tpu.memory_space<vmem>>) semaphore(%dma_start3A_945 : memref<!tpu.dma_semaphore, #tpu.memory_space<semaphore_mem>>)
      %mul3A_946 = arith.constant 160 : i32
      %mul3A_947 = arith.muli %add3A_904, %mul3A_946 : i32
      %multiple_of3A_948 = tpu.assume_multiple %mul3A_947, 160 : i32
      %dma_wait3A_949 = arith.constant 3 : i32
      %dma_wait3A_950 = arith.constant 3 : i32
      %dma_wait3A_951 = arith.constant 0 : i32
      %dma_wait3A_952 = arith.constant 0 : i32
      %dma_wait3A_953 = tpu.memref_slice %arg6[%dma_wait3A_949, %dma_wait3A_951, %dma_wait3A_952] : memref<5x160x128xf32, #tpu.memory_space<vmem>> -> memref<1x160x128xf32, #tpu.memory_space<vmem>>
      %dma_wait3A_954 = tpu.memref_squeeze %dma_wait3A_953 : memref<1x160x128xf32, #tpu.memory_space<vmem>> -> memref<160x128xf32, #tpu.memory_space<vmem>>
      %dma_wait3A_955 = tpu.memref_slice %arg5[%multiple_of3A_948] : memref<25600xi32, #tpu.memory_space<vmem>> -> memref<160xi32, #tpu.memory_space<vmem>>
      %dma_wait3A_956 = arith.constant 0 : i32
      %dma_wait3A_957 = arith.constant 0 : i32
      %dma_wait3A_958 = tpu.memref_slice %arg7[%dma_wait3A_956, %dma_wait3A_957] : memref<100x128xf32, #tpu.memory_space<vmem_shared>> -> memref<100x128xf32, #tpu.memory_space<vmem_shared>>
      %dma_wait3A_959 = tpu.memref_slice %arg8[%dma_wait3A_950] : memref<5x!tpu.dma_semaphore, #tpu.memory_space<semaphore_mem>> -> memref<1x!tpu.dma_semaphore, #tpu.memory_space<semaphore_mem>>
      %dma_wait3A_960 = tpu.memref_squeeze %dma_wait3A_959 : memref<1x!tpu.dma_semaphore, #tpu.memory_space<semaphore_mem>> -> memref<!tpu.dma_semaphore, #tpu.memory_space<semaphore_mem>>
      tpu.wait_indirect_dma semaphore(%dma_wait3A_960 : memref<!tpu.dma_semaphore, #tpu.memory_space<semaphore_mem>>) src(%dma_wait3A_958 : memref<100x128xf32, #tpu.memory_space<vmem_shared>>) dst(%dma_wait3A_954 : memref<160x128xf32, #tpu.memory_space<vmem>>)
      %mul3A_961 = arith.constant 160 : i32
      %mul3A_962 = arith.muli %add3A_904, %mul3A_961 : i32
      %multiple_of3A_963 = tpu.assume_multiple %mul3A_962, 160 : i32
      %add3A_964 = arith.addi %mul3A_2, %multiple_of3A_963 : i32
      %dma_start3A_965 = arith.constant 3 : i32
      %dma_start3A_966 = arith.constant 3 : i32
      %dma_start3A_967 = arith.constant 0 : i32
      %dma_start3A_968 = arith.constant 0 : i32
      %dma_start3A_969 = tpu.memref_slice %arg6[%dma_start3A_965, %dma_start3A_967, %dma_start3A_968] : memref<5x160x128xf32, #tpu.memory_space<vmem>> -> memref<1x160x128xf32, #tpu.memory_space<vmem>>
      %dma_start3A_970 = tpu.memref_squeeze %dma_start3A_969 : memref<1x160x128xf32, #tpu.memory_space<vmem>> -> memref<160x128xf32, #tpu.memory_space<vmem>>
      %dma_start3A_971 = arith.constant 0 : i32
      %dma_start3A_972 = tpu.memref_slice %arg4[%add3A_964, %dma_start3A_971] : memref<819200x128xf32, #tpu.memory_space<hbm>> -> memref<160x128xf32, #tpu.memory_space<hbm>>
      %dma_start3A_973 = tpu.memref_slice %arg9[%dma_start3A_966] : memref<5x!tpu.dma_semaphore, #tpu.memory_space<semaphore_mem>> -> memref<1x!tpu.dma_semaphore, #tpu.memory_space<semaphore_mem>>
      %dma_start3A_974 = tpu.memref_squeeze %dma_start3A_973 : memref<1x!tpu.dma_semaphore, #tpu.memory_space<semaphore_mem>> -> memref<!tpu.dma_semaphore, #tpu.memory_space<semaphore_mem>>
      %dma_start3A_975 = arith.constant 0 : i32
      %dma_start3A_976 = tpu.memref_slice %arg4[%add3A_964, %dma_start3A_975] : memref<819200x128xf32, #tpu.memory_space<hbm>> -> memref<160x128xf32, #tpu.memory_space<hbm>>
      %dma_start3A_977 = arith.constant 0 : i32
      %dma_start3A_978 = arith.constant 0 : i32
      %dma_start3A_979 = tpu.memref_slice %arg6[%dma_start3A_965, %dma_start3A_977, %dma_start3A_978] : memref<5x160x128xf32, #tpu.memory_space<vmem>> -> memref<1x160x128xf32, #tpu.memory_space<vmem>>
      %dma_start3A_980 = tpu.memref_squeeze %dma_start3A_979 : memref<1x160x128xf32, #tpu.memory_space<vmem>> -> memref<160x128xf32, #tpu.memory_space<vmem>>
      tpu.enqueue_dma source(%dma_start3A_980 : memref<160x128xf32, #tpu.memory_space<vmem>>) target(%dma_start3A_976 : memref<160x128xf32, #tpu.memory_space<hbm>>) target_semaphore(%dma_start3A_974 : memref<!tpu.dma_semaphore, #tpu.memory_space<semaphore_mem>>)
      %add3A_981 = arith.constant 4 : i32
      %add3A_982 = arith.addi %mul3A_669, %add3A_981 : i32
      %add3A_983 = arith.constant 2 : i32
      %add3A_984 = arith.addi %add3A_982, %add3A_983 : i32
      %sub3A_985 = arith.constant 5 : i32
      %sub3A_986 = arith.subi %add3A_984, %sub3A_985 : i32
      %mul3A_987 = arith.constant 160 : i32
      %mul3A_988 = arith.muli %sub3A_986, %mul3A_987 : i32
      %multiple_of3A_989 = tpu.assume_multiple %mul3A_988, 160 : i32
      %add3A_990 = arith.addi %mul3A_2, %multiple_of3A_989 : i32
      %dma_wait3A_991 = arith.constant 1 : i32
      %dma_wait3A_992 = arith.constant 1 : i32
      %dma_wait3A_993 = arith.constant 0 : i32
      %dma_wait3A_994 = arith.constant 0 : i32
      %dma_wait3A_995 = tpu.memref_slice %arg6[%dma_wait3A_991, %dma_wait3A_993, %dma_wait3A_994] : memref<5x160x128xf32, #tpu.memory_space<vmem>> -> memref<1x160x128xf32, #tpu.memory_space<vmem>>
      %dma_wait3A_996 = tpu.memref_squeeze %dma_wait3A_995 : memref<1x160x128xf32, #tpu.memory_space<vmem>> -> memref<160x128xf32, #tpu.memory_space<vmem>>
      %dma_wait3A_997 = arith.constant 0 : i32
      %dma_wait3A_998 = tpu.memref_slice %arg4[%add3A_990, %dma_wait3A_997] : memref<819200x128xf32, #tpu.memory_space<hbm>> -> memref<160x128xf32, #tpu.memory_space<hbm>>
      %dma_wait3A_999 = tpu.memref_slice %arg9[%dma_wait3A_992] : memref<5x!tpu.dma_semaphore, #tpu.memory_space<semaphore_mem>> -> memref<1x!tpu.dma_semaphore, #tpu.memory_space<semaphore_mem>>
      %dma_wait3A_1000 = tpu.memref_squeeze %dma_wait3A_999 : memref<1x!tpu.dma_semaphore, #tpu.memory_space<semaphore_mem>> -> memref<!tpu.dma_semaphore, #tpu.memory_space<semaphore_mem>>
      %dma_wait3A_1001 = arith.constant 0 : i32
      %dma_wait3A_1002 = tpu.memref_slice %arg4[%add3A_990, %dma_wait3A_1001] : memref<819200x128xf32, #tpu.memory_space<hbm>> -> memref<160x128xf32, #tpu.memory_space<hbm>>
      %dma_wait3A_1003 = arith.constant 0 : i32
      %dma_wait3A_1004 = arith.constant 0 : i32
      %dma_wait3A_1005 = tpu.memref_slice %arg6[%dma_wait3A_991, %dma_wait3A_1003, %dma_wait3A_1004] : memref<5x160x128xf32, #tpu.memory_space<vmem>> -> memref<1x160x128xf32, #tpu.memory_space<vmem>>
      %dma_wait3A_1006 = tpu.memref_squeeze %dma_wait3A_1005 : memref<1x160x128xf32, #tpu.memory_space<vmem>> -> memref<160x128xf32, #tpu.memory_space<vmem>>
      tpu.wait_dma2 semaphore(%dma_wait3A_1000 : memref<!tpu.dma_semaphore, #tpu.memory_space<semaphore_mem>>) src(%dma_wait3A_1006 : memref<160x128xf32, #tpu.memory_space<vmem>>) dst(%dma_wait3A_1002 : memref<160x128xf32, #tpu.memory_space<hbm>>)
      %add3A_1007 = arith.constant 2 : i32
      %add3A_1008 = arith.addi %add3A_982, %add3A_1007 : i32
      %mul3A_1009 = arith.constant 160 : i32
      %mul3A_1010 = arith.muli %add3A_1008, %mul3A_1009 : i32
      %multiple_of3A_1011 = tpu.assume_multiple %mul3A_1010, 160 : i32
      %dma_start3A_1012 = arith.constant 1 : i32
      %dma_start3A_1013 = arith.constant 1 : i32
      %dma_start3A_1014 = arith.constant 0 : i32
      %dma_start3A_1015 = arith.constant 0 : i32
      %dma_start3A_1016 = tpu.memref_slice %arg6[%dma_start3A_1012, %dma_start3A_1014, %dma_start3A_1015] : memref<5x160x128xf32, #tpu.memory_space<vmem>> -> memref<1x160x128xf32, #tpu.memory_space<vmem>>
      %dma_start3A_1017 = tpu.memref_squeeze %dma_start3A_1016 : memref<1x160x128xf32, #tpu.memory_space<vmem>> -> memref<160x128xf32, #tpu.memory_space<vmem>>
      %dma_start3A_1018 = tpu.memref_slice %arg5[%multiple_of3A_1011] : memref<25600xi32, #tpu.memory_space<vmem>> -> memref<160xi32, #tpu.memory_space<vmem>>
      %dma_start3A_1019 = arith.constant 0 : i32
      %dma_start3A_1020 = arith.constant 0 : i32
      %dma_start3A_1021 = tpu.memref_slice %arg7[%dma_start3A_1019, %dma_start3A_1020] : memref<100x128xf32, #tpu.memory_space<vmem_shared>> -> memref<100x128xf32, #tpu.memory_space<vmem_shared>>
      %dma_start3A_1022 = tpu.memref_slice %arg8[%dma_start3A_1013] : memref<5x!tpu.dma_semaphore, #tpu.memory_space<semaphore_mem>> -> memref<1x!tpu.dma_semaphore, #tpu.memory_space<semaphore_mem>>
      %dma_start3A_1023 = tpu.memref_squeeze %dma_start3A_1022 : memref<1x!tpu.dma_semaphore, #tpu.memory_space<semaphore_mem>> -> memref<!tpu.dma_semaphore, #tpu.memory_space<semaphore_mem>>
      tpu.enqueue_indirect_dma source(%dma_start3A_1021 : memref<100x128xf32, #tpu.memory_space<vmem_shared>>) target(%dma_start3A_1017 : memref<160x128xf32, #tpu.memory_space<vmem>>) offsets(%dma_start3A_1018 : memref<160xi32, #tpu.memory_space<vmem>>) semaphore(%dma_start3A_1023 : memref<!tpu.dma_semaphore, #tpu.memory_space<semaphore_mem>>)
      %mul3A_1024 = arith.constant 160 : i32
      %mul3A_1025 = arith.muli %add3A_982, %mul3A_1024 : i32
      %multiple_of3A_1026 = tpu.assume_multiple %mul3A_1025, 160 : i32
      %dma_wait3A_1027 = arith.constant 4 : i32
      %dma_wait3A_1028 = arith.constant 4 : i32
      %dma_wait3A_1029 = arith.constant 0 : i32
      %dma_wait3A_1030 = arith.constant 0 : i32
      %dma_wait3A_1031 = tpu.memref_slice %arg6[%dma_wait3A_1027, %dma_wait3A_1029, %dma_wait3A_1030] : memref<5x160x128xf32, #tpu.memory_space<vmem>> -> memref<1x160x128xf32, #tpu.memory_space<vmem>>
      %dma_wait3A_1032 = tpu.memref_squeeze %dma_wait3A_1031 : memref<1x160x128xf32, #tpu.memory_space<vmem>> -> memref<160x128xf32, #tpu.memory_space<vmem>>
      %dma_wait3A_1033 = tpu.memref_slice %arg5[%multiple_of3A_1026] : memref<25600xi32, #tpu.memory_space<vmem>> -> memref<160xi32, #tpu.memory_space<vmem>>
      %dma_wait3A_1034 = arith.constant 0 : i32
      %dma_wait3A_1035 = arith.constant 0 : i32
      %dma_wait3A_1036 = tpu.memref_slice %arg7[%dma_wait3A_1034, %dma_wait3A_1035] : memref<100x128xf32, #tpu.memory_space<vmem_shared>> -> memref<100x128xf32, #tpu.memory_space<vmem_shared>>
      %dma_wait3A_1037 = tpu.memref_slice %arg8[%dma_wait3A_1028] : memref<5x!tpu.dma_semaphore, #tpu.memory_space<semaphore_mem>> -> memref<1x!tpu.dma_semaphore, #tpu.memory_space<semaphore_mem>>
      %dma_wait3A_1038 = tpu.memref_squeeze %dma_wait3A_1037 : memref<1x!tpu.dma_semaphore, #tpu.memory_space<semaphore_mem>> -> memref<!tpu.dma_semaphore, #tpu.memory_space<semaphore_mem>>
      tpu.wait_indirect_dma semaphore(%dma_wait3A_1038 : memref<!tpu.dma_semaphore, #tpu.memory_space<semaphore_mem>>) src(%dma_wait3A_1036 : memref<100x128xf32, #tpu.memory_space<vmem_shared>>) dst(%dma_wait3A_1032 : memref<160x128xf32, #tpu.memory_space<vmem>>)
      %mul3A_1039 = arith.constant 160 : i32
      %mul3A_1040 = arith.muli %add3A_982, %mul3A_1039 : i32
      %multiple_of3A_1041 = tpu.assume_multiple %mul3A_1040, 160 : i32
      %add3A_1042 = arith.addi %mul3A_2, %multiple_of3A_1041 : i32
      %dma_start3A_1043 = arith.constant 4 : i32
      %dma_start3A_1044 = arith.constant 4 : i32
      %dma_start3A_1045 = arith.constant 0 : i32
      %dma_start3A_1046 = arith.constant 0 : i32
      %dma_start3A_1047 = tpu.memref_slice %arg6[%dma_start3A_1043, %dma_start3A_1045, %dma_start3A_1046] : memref<5x160x128xf32, #tpu.memory_space<vmem>> -> memref<1x160x128xf32, #tpu.memory_space<vmem>>
      %dma_start3A_1048 = tpu.memref_squeeze %dma_start3A_1047 : memref<1x160x128xf32, #tpu.memory_space<vmem>> -> memref<160x128xf32, #tpu.memory_space<vmem>>
      %dma_start3A_1049 = arith.constant 0 : i32
      %dma_start3A_1050 = tpu.memref_slice %arg4[%add3A_1042, %dma_start3A_1049] : memref<819200x128xf32, #tpu.memory_space<hbm>> -> memref<160x128xf32, #tpu.memory_space<hbm>>
      %dma_start3A_1051 = tpu.memref_slice %arg9[%dma_start3A_1044] : memref<5x!tpu.dma_semaphore, #tpu.memory_space<semaphore_mem>> -> memref<1x!tpu.dma_semaphore, #tpu.memory_space<semaphore_mem>>
      %dma_start3A_1052 = tpu.memref_squeeze %dma_start3A_1051 : memref<1x!tpu.dma_semaphore, #tpu.memory_space<semaphore_mem>> -> memref<!tpu.dma_semaphore, #tpu.memory_space<semaphore_mem>>
      %dma_start3A_1053 = arith.constant 0 : i32
      %dma_start3A_1054 = tpu.memref_slice %arg4[%add3A_1042, %dma_start3A_1053] : memref<819200x128xf32, #tpu.memory_space<hbm>> -> memref<160x128xf32, #tpu.memory_space<hbm>>
      %dma_start3A_1055 = arith.constant 0 : i32
      %dma_start3A_1056 = arith.constant 0 : i32
      %dma_start3A_1057 = tpu.memref_slice %arg6[%dma_start3A_1043, %dma_start3A_1055, %dma_start3A_1056] : memref<5x160x128xf32, #tpu.memory_space<vmem>> -> memref<1x160x128xf32, #tpu.memory_space<vmem>>
      %dma_start3A_1058 = tpu.memref_squeeze %dma_start3A_1057 : memref<1x160x128xf32, #tpu.memory_space<vmem>> -> memref<160x128xf32, #tpu.memory_space<vmem>>
      tpu.enqueue_dma source(%dma_start3A_1058 : memref<160x128xf32, #tpu.memory_space<vmem>>) target(%dma_start3A_1054 : memref<160x128xf32, #tpu.memory_space<hbm>>) target_semaphore(%dma_start3A_1052 : memref<!tpu.dma_semaphore, #tpu.memory_space<semaphore_mem>>)
    }
    %scan3A_307 = arith.constant 30 : i32
    %multiple_of3A_308 = arith.constant 24320 : i32
    %multiple_of3A_309 = tpu.assume_multiple %multiple_of3A_308, 160 : i32
    %add3A_310 = arith.addi %mul3A_2, %multiple_of3A_309 : i32
    %dma_wait3A_311 = arith.constant 2 : i32
    %dma_wait3A_312 = arith.constant 2 : i32
    %dma_wait3A_313 = arith.constant 0 : i32
    %dma_wait3A_314 = arith.constant 0 : i32
    %dma_wait3A_315 = tpu.memref_slice %arg6[%dma_wait3A_311, %dma_wait3A_313, %dma_wait3A_314] : memref<5x160x128xf32, #tpu.memory_space<vmem>> -> memref<1x160x128xf32, #tpu.memory_space<vmem>>
    %dma_wait3A_316 = tpu.memref_squeeze %dma_wait3A_315 : memref<1x160x128xf32, #tpu.memory_space<vmem>> -> memref<160x128xf32, #tpu.memory_space<vmem>>
    %dma_wait3A_317 = arith.constant 0 : i32
    %dma_wait3A_318 = tpu.memref_slice %arg4[%add3A_310, %dma_wait3A_317] : memref<819200x128xf32, #tpu.memory_space<hbm>> -> memref<160x128xf32, #tpu.memory_space<hbm>>
    %dma_wait3A_319 = tpu.memref_slice %arg9[%dma_wait3A_312] : memref<5x!tpu.dma_semaphore, #tpu.memory_space<semaphore_mem>> -> memref<1x!tpu.dma_semaphore, #tpu.memory_space<semaphore_mem>>
    %dma_wait3A_320 = tpu.memref_squeeze %dma_wait3A_319 : memref<1x!tpu.dma_semaphore, #tpu.memory_space<semaphore_mem>> -> memref<!tpu.dma_semaphore, #tpu.memory_space<semaphore_mem>>
    %dma_wait3A_321 = arith.constant 0 : i32
    %dma_wait3A_322 = tpu.memref_slice %arg4[%add3A_310, %dma_wait3A_321] : memref<819200x128xf32, #tpu.memory_space<hbm>> -> memref<160x128xf32, #tpu.memory_space<hbm>>
    %dma_wait3A_323 = arith.constant 0 : i32
    %dma_wait3A_324 = arith.constant 0 : i32
    %dma_wait3A_325 = tpu.memref_slice %arg6[%dma_wait3A_311, %dma_wait3A_323, %dma_wait3A_324] : memref<5x160x128xf32, #tpu.memory_space<vmem>> -> memref<1x160x128xf32, #tpu.memory_space<vmem>>
    %dma_wait3A_326 = tpu.memref_squeeze %dma_wait3A_325 : memref<1x160x128xf32, #tpu.memory_space<vmem>> -> memref<160x128xf32, #tpu.memory_space<vmem>>
    tpu.wait_dma2 semaphore(%dma_wait3A_320 : memref<!tpu.dma_semaphore, #tpu.memory_space<semaphore_mem>>) src(%dma_wait3A_326 : memref<160x128xf32, #tpu.memory_space<vmem>>) dst(%dma_wait3A_322 : memref<160x128xf32, #tpu.memory_space<hbm>>)
    %multiple_of3A_327 = arith.constant 25120 : i32
    %multiple_of3A_328 = tpu.assume_multiple %multiple_of3A_327, 160 : i32
    %dma_start3A_329 = arith.constant 2 : i32
    %dma_start3A_330 = arith.constant 2 : i32
    %dma_start3A_331 = arith.constant 0 : i32
    %dma_start3A_332 = arith.constant 0 : i32
    %dma_start3A_333 = tpu.memref_slice %arg6[%dma_start3A_329, %dma_start3A_331, %dma_start3A_332] : memref<5x160x128xf32, #tpu.memory_space<vmem>> -> memref<1x160x128xf32, #tpu.memory_space<vmem>>
    %dma_start3A_334 = tpu.memref_squeeze %dma_start3A_333 : memref<1x160x128xf32, #tpu.memory_space<vmem>> -> memref<160x128xf32, #tpu.memory_space<vmem>>
    %dma_start3A_335 = tpu.memref_slice %arg5[%multiple_of3A_328] : memref<25600xi32, #tpu.memory_space<vmem>> -> memref<160xi32, #tpu.memory_space<vmem>>
    %dma_start3A_336 = arith.constant 0 : i32
    %dma_start3A_337 = arith.constant 0 : i32
    %dma_start3A_338 = tpu.memref_slice %arg7[%dma_start3A_336, %dma_start3A_337] : memref<100x128xf32, #tpu.memory_space<vmem_shared>> -> memref<100x128xf32, #tpu.memory_space<vmem_shared>>
    %dma_start3A_339 = tpu.memref_slice %arg8[%dma_start3A_330] : memref<5x!tpu.dma_semaphore, #tpu.memory_space<semaphore_mem>> -> memref<1x!tpu.dma_semaphore, #tpu.memory_space<semaphore_mem>>
    %dma_start3A_340 = tpu.memref_squeeze %dma_start3A_339 : memref<1x!tpu.dma_semaphore, #tpu.memory_space<semaphore_mem>> -> memref<!tpu.dma_semaphore, #tpu.memory_space<semaphore_mem>>
    tpu.enqueue_indirect_dma source(%dma_start3A_338 : memref<100x128xf32, #tpu.memory_space<vmem_shared>>) target(%dma_start3A_334 : memref<160x128xf32, #tpu.memory_space<vmem>>) offsets(%dma_start3A_335 : memref<160xi32, #tpu.memory_space<vmem>>) semaphore(%dma_start3A_340 : memref<!tpu.dma_semaphore, #tpu.memory_space<semaphore_mem>>)
    %multiple_of3A_341 = arith.constant 24800 : i32
    %multiple_of3A_342 = tpu.assume_multiple %multiple_of3A_341, 160 : i32
    %dma_wait3A_343 = arith.constant 0 : i32
    %dma_wait3A_344 = arith.constant 0 : i32
    %dma_wait3A_345 = arith.constant 0 : i32
    %dma_wait3A_346 = arith.constant 0 : i32
    %dma_wait3A_347 = tpu.memref_slice %arg6[%dma_wait3A_343, %dma_wait3A_345, %dma_wait3A_346] : memref<5x160x128xf32, #tpu.memory_space<vmem>> -> memref<1x160x128xf32, #tpu.memory_space<vmem>>
    %dma_wait3A_348 = tpu.memref_squeeze %dma_wait3A_347 : memref<1x160x128xf32, #tpu.memory_space<vmem>> -> memref<160x128xf32, #tpu.memory_space<vmem>>
    %dma_wait3A_349 = tpu.memref_slice %arg5[%multiple_of3A_342] : memref<25600xi32, #tpu.memory_space<vmem>> -> memref<160xi32, #tpu.memory_space<vmem>>
    %dma_wait3A_350 = arith.constant 0 : i32
    %dma_wait3A_351 = arith.constant 0 : i32
    %dma_wait3A_352 = tpu.memref_slice %arg7[%dma_wait3A_350, %dma_wait3A_351] : memref<100x128xf32, #tpu.memory_space<vmem_shared>> -> memref<100x128xf32, #tpu.memory_space<vmem_shared>>
    %dma_wait3A_353 = tpu.memref_slice %arg8[%dma_wait3A_344] : memref<5x!tpu.dma_semaphore, #tpu.memory_space<semaphore_mem>> -> memref<1x!tpu.dma_semaphore, #tpu.memory_space<semaphore_mem>>
    %dma_wait3A_354 = tpu.memref_squeeze %dma_wait3A_353 : memref<1x!tpu.dma_semaphore, #tpu.memory_space<semaphore_mem>> -> memref<!tpu.dma_semaphore, #tpu.memory_space<semaphore_mem>>
    tpu.wait_indirect_dma semaphore(%dma_wait3A_354 : memref<!tpu.dma_semaphore, #tpu.memory_space<semaphore_mem>>) src(%dma_wait3A_352 : memref<100x128xf32, #tpu.memory_space<vmem_shared>>) dst(%dma_wait3A_348 : memref<160x128xf32, #tpu.memory_space<vmem>>)
    %multiple_of3A_355 = arith.constant 24800 : i32
    %multiple_of3A_356 = tpu.assume_multiple %multiple_of3A_355, 160 : i32
    %add3A_357 = arith.addi %mul3A_2, %multiple_of3A_356 : i32
    %dma_start3A_358 = arith.constant 0 : i32
    %dma_start3A_359 = arith.constant 0 : i32
    %dma_start3A_360 = arith.constant 0 : i32
    %dma_start3A_361 = arith.constant 0 : i32
    %dma_start3A_362 = tpu.memref_slice %arg6[%dma_start3A_358, %dma_start3A_360, %dma_start3A_361] : memref<5x160x128xf32, #tpu.memory_space<vmem>> -> memref<1x160x128xf32, #tpu.memory_space<vmem>>
    %dma_start3A_363 = tpu.memref_squeeze %dma_start3A_362 : memref<1x160x128xf32, #tpu.memory_space<vmem>> -> memref<160x128xf32, #tpu.memory_space<vmem>>
    %dma_start3A_364 = arith.constant 0 : i32
    %dma_start3A_365 = tpu.memref_slice %arg4[%add3A_357, %dma_start3A_364] : memref<819200x128xf32, #tpu.memory_space<hbm>> -> memref<160x128xf32, #tpu.memory_space<hbm>>
    %dma_start3A_366 = tpu.memref_slice %arg9[%dma_start3A_359] : memref<5x!tpu.dma_semaphore, #tpu.memory_space<semaphore_mem>> -> memref<1x!tpu.dma_semaphore, #tpu.memory_space<semaphore_mem>>
    %dma_start3A_367 = tpu.memref_squeeze %dma_start3A_366 : memref<1x!tpu.dma_semaphore, #tpu.memory_space<semaphore_mem>> -> memref<!tpu.dma_semaphore, #tpu.memory_space<semaphore_mem>>
    %dma_start3A_368 = arith.constant 0 : i32
    %dma_start3A_369 = tpu.memref_slice %arg4[%add3A_357, %dma_start3A_368] : memref<819200x128xf32, #tpu.memory_space<hbm>> -> memref<160x128xf32, #tpu.memory_space<hbm>>
    %dma_start3A_370 = arith.constant 0 : i32
    %dma_start3A_371 = arith.constant 0 : i32
    %dma_start3A_372 = tpu.memref_slice %arg6[%dma_start3A_358, %dma_start3A_370, %dma_start3A_371] : memref<5x160x128xf32, #tpu.memory_space<vmem>> -> memref<1x160x128xf32, #tpu.memory_space<vmem>>
    %dma_start3A_373 = tpu.memref_squeeze %dma_start3A_372 : memref<1x160x128xf32, #tpu.memory_space<vmem>> -> memref<160x128xf32, #tpu.memory_space<vmem>>
    tpu.enqueue_dma source(%dma_start3A_373 : memref<160x128xf32, #tpu.memory_space<vmem>>) target(%dma_start3A_369 : memref<160x128xf32, #tpu.memory_space<hbm>>) target_semaphore(%dma_start3A_367 : memref<!tpu.dma_semaphore, #tpu.memory_space<semaphore_mem>>)
    %multiple_of3A_374 = arith.constant 24480 : i32
    %multiple_of3A_375 = tpu.assume_multiple %multiple_of3A_374, 160 : i32
    %add3A_376 = arith.addi %mul3A_2, %multiple_of3A_375 : i32
    %dma_wait3A_377 = arith.constant 3 : i32
    %dma_wait3A_378 = arith.constant 3 : i32
    %dma_wait3A_379 = arith.constant 0 : i32
    %dma_wait3A_380 = arith.constant 0 : i32
    %dma_wait3A_381 = tpu.memref_slice %arg6[%dma_wait3A_377, %dma_wait3A_379, %dma_wait3A_380] : memref<5x160x128xf32, #tpu.memory_space<vmem>> -> memref<1x160x128xf32, #tpu.memory_space<vmem>>
    %dma_wait3A_382 = tpu.memref_squeeze %dma_wait3A_381 : memref<1x160x128xf32, #tpu.memory_space<vmem>> -> memref<160x128xf32, #tpu.memory_space<vmem>>
    %dma_wait3A_383 = arith.constant 0 : i32
    %dma_wait3A_384 = tpu.memref_slice %arg4[%add3A_376, %dma_wait3A_383] : memref<819200x128xf32, #tpu.memory_space<hbm>> -> memref<160x128xf32, #tpu.memory_space<hbm>>
    %dma_wait3A_385 = tpu.memref_slice %arg9[%dma_wait3A_378] : memref<5x!tpu.dma_semaphore, #tpu.memory_space<semaphore_mem>> -> memref<1x!tpu.dma_semaphore, #tpu.memory_space<semaphore_mem>>
    %dma_wait3A_386 = tpu.memref_squeeze %dma_wait3A_385 : memref<1x!tpu.dma_semaphore, #tpu.memory_space<semaphore_mem>> -> memref<!tpu.dma_semaphore, #tpu.memory_space<semaphore_mem>>
    %dma_wait3A_387 = arith.constant 0 : i32
    %dma_wait3A_388 = tpu.memref_slice %arg4[%add3A_376, %dma_wait3A_387] : memref<819200x128xf32, #tpu.memory_space<hbm>> -> memref<160x128xf32, #tpu.memory_space<hbm>>
    %dma_wait3A_389 = arith.constant 0 : i32
    %dma_wait3A_390 = arith.constant 0 : i32
    %dma_wait3A_391 = tpu.memref_slice %arg6[%dma_wait3A_377, %dma_wait3A_389, %dma_wait3A_390] : memref<5x160x128xf32, #tpu.memory_space<vmem>> -> memref<1x160x128xf32, #tpu.memory_space<vmem>>
    %dma_wait3A_392 = tpu.memref_squeeze %dma_wait3A_391 : memref<1x160x128xf32, #tpu.memory_space<vmem>> -> memref<160x128xf32, #tpu.memory_space<vmem>>
    tpu.wait_dma2 semaphore(%dma_wait3A_386 : memref<!tpu.dma_semaphore, #tpu.memory_space<semaphore_mem>>) src(%dma_wait3A_392 : memref<160x128xf32, #tpu.memory_space<vmem>>) dst(%dma_wait3A_388 : memref<160x128xf32, #tpu.memory_space<hbm>>)
    %multiple_of3A_393 = arith.constant 25280 : i32
    %multiple_of3A_394 = tpu.assume_multiple %multiple_of3A_393, 160 : i32
    %dma_start3A_395 = arith.constant 3 : i32
    %dma_start3A_396 = arith.constant 3 : i32
    %dma_start3A_397 = arith.constant 0 : i32
    %dma_start3A_398 = arith.constant 0 : i32
    %dma_start3A_399 = tpu.memref_slice %arg6[%dma_start3A_395, %dma_start3A_397, %dma_start3A_398] : memref<5x160x128xf32, #tpu.memory_space<vmem>> -> memref<1x160x128xf32, #tpu.memory_space<vmem>>
    %dma_start3A_400 = tpu.memref_squeeze %dma_start3A_399 : memref<1x160x128xf32, #tpu.memory_space<vmem>> -> memref<160x128xf32, #tpu.memory_space<vmem>>
    %dma_start3A_401 = tpu.memref_slice %arg5[%multiple_of3A_394] : memref<25600xi32, #tpu.memory_space<vmem>> -> memref<160xi32, #tpu.memory_space<vmem>>
    %dma_start3A_402 = arith.constant 0 : i32
    %dma_start3A_403 = arith.constant 0 : i32
    %dma_start3A_404 = tpu.memref_slice %arg7[%dma_start3A_402, %dma_start3A_403] : memref<100x128xf32, #tpu.memory_space<vmem_shared>> -> memref<100x128xf32, #tpu.memory_space<vmem_shared>>
    %dma_start3A_405 = tpu.memref_slice %arg8[%dma_start3A_396] : memref<5x!tpu.dma_semaphore, #tpu.memory_space<semaphore_mem>> -> memref<1x!tpu.dma_semaphore, #tpu.memory_space<semaphore_mem>>
    %dma_start3A_406 = tpu.memref_squeeze %dma_start3A_405 : memref<1x!tpu.dma_semaphore, #tpu.memory_space<semaphore_mem>> -> memref<!tpu.dma_semaphore, #tpu.memory_space<semaphore_mem>>
    tpu.enqueue_indirect_dma source(%dma_start3A_404 : memref<100x128xf32, #tpu.memory_space<vmem_shared>>) target(%dma_start3A_400 : memref<160x128xf32, #tpu.memory_space<vmem>>) offsets(%dma_start3A_401 : memref<160xi32, #tpu.memory_space<vmem>>) semaphore(%dma_start3A_406 : memref<!tpu.dma_semaphore, #tpu.memory_space<semaphore_mem>>)
    %multiple_of3A_407 = arith.constant 24960 : i32
    %multiple_of3A_408 = tpu.assume_multiple %multiple_of3A_407, 160 : i32
    %dma_wait3A_409 = arith.constant 1 : i32
    %dma_wait3A_410 = arith.constant 1 : i32
    %dma_wait3A_411 = arith.constant 0 : i32
    %dma_wait3A_412 = arith.constant 0 : i32
    %dma_wait3A_413 = tpu.memref_slice %arg6[%dma_wait3A_409, %dma_wait3A_411, %dma_wait3A_412] : memref<5x160x128xf32, #tpu.memory_space<vmem>> -> memref<1x160x128xf32, #tpu.memory_space<vmem>>
    %dma_wait3A_414 = tpu.memref_squeeze %dma_wait3A_413 : memref<1x160x128xf32, #tpu.memory_space<vmem>> -> memref<160x128xf32, #tpu.memory_space<vmem>>
    %dma_wait3A_415 = tpu.memref_slice %arg5[%multiple_of3A_408] : memref<25600xi32, #tpu.memory_space<vmem>> -> memref<160xi32, #tpu.memory_space<vmem>>
    %dma_wait3A_416 = arith.constant 0 : i32
    %dma_wait3A_417 = arith.constant 0 : i32
    %dma_wait3A_418 = tpu.memref_slice %arg7[%dma_wait3A_416, %dma_wait3A_417] : memref<100x128xf32, #tpu.memory_space<vmem_shared>> -> memref<100x128xf32, #tpu.memory_space<vmem_shared>>
    %dma_wait3A_419 = tpu.memref_slice %arg8[%dma_wait3A_410] : memref<5x!tpu.dma_semaphore, #tpu.memory_space<semaphore_mem>> -> memref<1x!tpu.dma_semaphore, #tpu.memory_space<semaphore_mem>>
    %dma_wait3A_420 = tpu.memref_squeeze %dma_wait3A_419 : memref<1x!tpu.dma_semaphore, #tpu.memory_space<semaphore_mem>> -> memref<!tpu.dma_semaphore, #tpu.memory_space<semaphore_mem>>
    tpu.wait_indirect_dma semaphore(%dma_wait3A_420 : memref<!tpu.dma_semaphore, #tpu.memory_space<semaphore_mem>>) src(%dma_wait3A_418 : memref<100x128xf32, #tpu.memory_space<vmem_shared>>) dst(%dma_wait3A_414 : memref<160x128xf32, #tpu.memory_space<vmem>>)
    %multiple_of3A_421 = arith.constant 24960 : i32
    %multiple_of3A_422 = tpu.assume_multiple %multiple_of3A_421, 160 : i32
    %add3A_423 = arith.addi %mul3A_2, %multiple_of3A_422 : i32
    %dma_start3A_424 = arith.constant 1 : i32
    %dma_start3A_425 = arith.constant 1 : i32
    %dma_start3A_426 = arith.constant 0 : i32
    %dma_start3A_427 = arith.constant 0 : i32
    %dma_start3A_428 = tpu.memref_slice %arg6[%dma_start3A_424, %dma_start3A_426, %dma_start3A_427] : memref<5x160x128xf32, #tpu.memory_space<vmem>> -> memref<1x160x128xf32, #tpu.memory_space<vmem>>
    %dma_start3A_429 = tpu.memref_squeeze %dma_start3A_428 : memref<1x160x128xf32, #tpu.memory_space<vmem>> -> memref<160x128xf32, #tpu.memory_space<vmem>>
    %dma_start3A_430 = arith.constant 0 : i32
    %dma_start3A_431 = tpu.memref_slice %arg4[%add3A_423, %dma_start3A_430] : memref<819200x128xf32, #tpu.memory_space<hbm>> -> memref<160x128xf32, #tpu.memory_space<hbm>>
    %dma_start3A_432 = tpu.memref_slice %arg9[%dma_start3A_425] : memref<5x!tpu.dma_semaphore, #tpu.memory_space<semaphore_mem>> -> memref<1x!tpu.dma_semaphore, #tpu.memory_space<semaphore_mem>>
    %dma_start3A_433 = tpu.memref_squeeze %dma_start3A_432 : memref<1x!tpu.dma_semaphore, #tpu.memory_space<semaphore_mem>> -> memref<!tpu.dma_semaphore, #tpu.memory_space<semaphore_mem>>
    %dma_start3A_434 = arith.constant 0 : i32
    %dma_start3A_435 = tpu.memref_slice %arg4[%add3A_423, %dma_start3A_434] : memref<819200x128xf32, #tpu.memory_space<hbm>> -> memref<160x128xf32, #tpu.memory_space<hbm>>
    %dma_start3A_436 = arith.constant 0 : i32
    %dma_start3A_437 = arith.constant 0 : i32
    %dma_start3A_438 = tpu.memref_slice %arg6[%dma_start3A_424, %dma_start3A_436, %dma_start3A_437] : memref<5x160x128xf32, #tpu.memory_space<vmem>> -> memref<1x160x128xf32, #tpu.memory_space<vmem>>
    %dma_start3A_439 = tpu.memref_squeeze %dma_start3A_438 : memref<1x160x128xf32, #tpu.memory_space<vmem>> -> memref<160x128xf32, #tpu.memory_space<vmem>>
    tpu.enqueue_dma source(%dma_start3A_439 : memref<160x128xf32, #tpu.memory_space<vmem>>) target(%dma_start3A_435 : memref<160x128xf32, #tpu.memory_space<hbm>>) target_semaphore(%dma_start3A_433 : memref<!tpu.dma_semaphore, #tpu.memory_space<semaphore_mem>>)
    %multiple_of3A_440 = arith.constant 24640 : i32
    %multiple_of3A_441 = tpu.assume_multiple %multiple_of3A_440, 160 : i32
    %add3A_442 = arith.addi %mul3A_2, %multiple_of3A_441 : i32
    %dma_wait3A_443 = arith.constant 4 : i32
    %dma_wait3A_444 = arith.constant 4 : i32
    %dma_wait3A_445 = arith.constant 0 : i32
    %dma_wait3A_446 = arith.constant 0 : i32
    %dma_wait3A_447 = tpu.memref_slice %arg6[%dma_wait3A_443, %dma_wait3A_445, %dma_wait3A_446] : memref<5x160x128xf32, #tpu.memory_space<vmem>> -> memref<1x160x128xf32, #tpu.memory_space<vmem>>
    %dma_wait3A_448 = tpu.memref_squeeze %dma_wait3A_447 : memref<1x160x128xf32, #tpu.memory_space<vmem>> -> memref<160x128xf32, #tpu.memory_space<vmem>>
    %dma_wait3A_449 = arith.constant 0 : i32
    %dma_wait3A_450 = tpu.memref_slice %arg4[%add3A_442, %dma_wait3A_449] : memref<819200x128xf32, #tpu.memory_space<hbm>> -> memref<160x128xf32, #tpu.memory_space<hbm>>
    %dma_wait3A_451 = tpu.memref_slice %arg9[%dma_wait3A_444] : memref<5x!tpu.dma_semaphore, #tpu.memory_space<semaphore_mem>> -> memref<1x!tpu.dma_semaphore, #tpu.memory_space<semaphore_mem>>
    %dma_wait3A_452 = tpu.memref_squeeze %dma_wait3A_451 : memref<1x!tpu.dma_semaphore, #tpu.memory_space<semaphore_mem>> -> memref<!tpu.dma_semaphore, #tpu.memory_space<semaphore_mem>>
    %dma_wait3A_453 = arith.constant 0 : i32
    %dma_wait3A_454 = tpu.memref_slice %arg4[%add3A_442, %dma_wait3A_453] : memref<819200x128xf32, #tpu.memory_space<hbm>> -> memref<160x128xf32, #tpu.memory_space<hbm>>
    %dma_wait3A_455 = arith.constant 0 : i32
    %dma_wait3A_456 = arith.constant 0 : i32
    %dma_wait3A_457 = tpu.memref_slice %arg6[%dma_wait3A_443, %dma_wait3A_455, %dma_wait3A_456] : memref<5x160x128xf32, #tpu.memory_space<vmem>> -> memref<1x160x128xf32, #tpu.memory_space<vmem>>
    %dma_wait3A_458 = tpu.memref_squeeze %dma_wait3A_457 : memref<1x160x128xf32, #tpu.memory_space<vmem>> -> memref<160x128xf32, #tpu.memory_space<vmem>>
    tpu.wait_dma2 semaphore(%dma_wait3A_452 : memref<!tpu.dma_semaphore, #tpu.memory_space<semaphore_mem>>) src(%dma_wait3A_458 : memref<160x128xf32, #tpu.memory_space<vmem>>) dst(%dma_wait3A_454 : memref<160x128xf32, #tpu.memory_space<hbm>>)
    %multiple_of3A_459 = arith.constant 25440 : i32
    %multiple_of3A_460 = tpu.assume_multiple %multiple_of3A_459, 160 : i32
    %dma_start3A_461 = arith.constant 4 : i32
    %dma_start3A_462 = arith.constant 4 : i32
    %dma_start3A_463 = arith.constant 0 : i32
    %dma_start3A_464 = arith.constant 0 : i32
    %dma_start3A_465 = tpu.memref_slice %arg6[%dma_start3A_461, %dma_start3A_463, %dma_start3A_464] : memref<5x160x128xf32, #tpu.memory_space<vmem>> -> memref<1x160x128xf32, #tpu.memory_space<vmem>>
    %dma_start3A_466 = tpu.memref_squeeze %dma_start3A_465 : memref<1x160x128xf32, #tpu.memory_space<vmem>> -> memref<160x128xf32, #tpu.memory_space<vmem>>
    %dma_start3A_467 = tpu.memref_slice %arg5[%multiple_of3A_460] : memref<25600xi32, #tpu.memory_space<vmem>> -> memref<160xi32, #tpu.memory_space<vmem>>
    %dma_start3A_468 = arith.constant 0 : i32
    %dma_start3A_469 = arith.constant 0 : i32
    %dma_start3A_470 = tpu.memref_slice %arg7[%dma_start3A_468, %dma_start3A_469] : memref<100x128xf32, #tpu.memory_space<vmem_shared>> -> memref<100x128xf32, #tpu.memory_space<vmem_shared>>
    %dma_start3A_471 = tpu.memref_slice %arg8[%dma_start3A_462] : memref<5x!tpu.dma_semaphore, #tpu.memory_space<semaphore_mem>> -> memref<1x!tpu.dma_semaphore, #tpu.memory_space<semaphore_mem>>
    %dma_start3A_472 = tpu.memref_squeeze %dma_start3A_471 : memref<1x!tpu.dma_semaphore, #tpu.memory_space<semaphore_mem>> -> memref<!tpu.dma_semaphore, #tpu.memory_space<semaphore_mem>>
    tpu.enqueue_indirect_dma source(%dma_start3A_470 : memref<100x128xf32, #tpu.memory_space<vmem_shared>>) target(%dma_start3A_466 : memref<160x128xf32, #tpu.memory_space<vmem>>) offsets(%dma_start3A_467 : memref<160xi32, #tpu.memory_space<vmem>>) semaphore(%dma_start3A_472 : memref<!tpu.dma_semaphore, #tpu.memory_space<semaphore_mem>>)
    %multiple_of3A_473 = arith.constant 25120 : i32
    %multiple_of3A_474 = tpu.assume_multiple %multiple_of3A_473, 160 : i32
    %dma_wait3A_475 = arith.constant 2 : i32
    %dma_wait3A_476 = arith.constant 2 : i32
    %dma_wait3A_477 = arith.constant 0 : i32
    %dma_wait3A_478 = arith.constant 0 : i32
    %dma_wait3A_479 = tpu.memref_slice %arg6[%dma_wait3A_475, %dma_wait3A_477, %dma_wait3A_478] : memref<5x160x128xf32, #tpu.memory_space<vmem>> -> memref<1x160x128xf32, #tpu.memory_space<vmem>>
    %dma_wait3A_480 = tpu.memref_squeeze %dma_wait3A_479 : memref<1x160x128xf32, #tpu.memory_space<vmem>> -> memref<160x128xf32, #tpu.memory_space<vmem>>
    %dma_wait3A_481 = tpu.memref_slice %arg5[%multiple_of3A_474] : memref<25600xi32, #tpu.memory_space<vmem>> -> memref<160xi32, #tpu.memory_space<vmem>>
    %dma_wait3A_482 = arith.constant 0 : i32
    %dma_wait3A_483 = arith.constant 0 : i32
    %dma_wait3A_484 = tpu.memref_slice %arg7[%dma_wait3A_482, %dma_wait3A_483] : memref<100x128xf32, #tpu.memory_space<vmem_shared>> -> memref<100x128xf32, #tpu.memory_space<vmem_shared>>
    %dma_wait3A_485 = tpu.memref_slice %arg8[%dma_wait3A_476] : memref<5x!tpu.dma_semaphore, #tpu.memory_space<semaphore_mem>> -> memref<1x!tpu.dma_semaphore, #tpu.memory_space<semaphore_mem>>
    %dma_wait3A_486 = tpu.memref_squeeze %dma_wait3A_485 : memref<1x!tpu.dma_semaphore, #tpu.memory_space<semaphore_mem>> -> memref<!tpu.dma_semaphore, #tpu.memory_space<semaphore_mem>>
    tpu.wait_indirect_dma semaphore(%dma_wait3A_486 : memref<!tpu.dma_semaphore, #tpu.memory_space<semaphore_mem>>) src(%dma_wait3A_484 : memref<100x128xf32, #tpu.memory_space<vmem_shared>>) dst(%dma_wait3A_480 : memref<160x128xf32, #tpu.memory_space<vmem>>)
    %multiple_of3A_487 = arith.constant 25120 : i32
    %multiple_of3A_488 = tpu.assume_multiple %multiple_of3A_487, 160 : i32
    %add3A_489 = arith.addi %mul3A_2, %multiple_of3A_488 : i32
    %dma_start3A_490 = arith.constant 2 : i32
    %dma_start3A_491 = arith.constant 2 : i32
    %dma_start3A_492 = arith.constant 0 : i32
    %dma_start3A_493 = arith.constant 0 : i32
    %dma_start3A_494 = tpu.memref_slice %arg6[%dma_start3A_490, %dma_start3A_492, %dma_start3A_493] : memref<5x160x128xf32, #tpu.memory_space<vmem>> -> memref<1x160x128xf32, #tpu.memory_space<vmem>>
    %dma_start3A_495 = tpu.memref_squeeze %dma_start3A_494 : memref<1x160x128xf32, #tpu.memory_space<vmem>> -> memref<160x128xf32, #tpu.memory_space<vmem>>
    %dma_start3A_496 = arith.constant 0 : i32
    %dma_start3A_497 = tpu.memref_slice %arg4[%add3A_489, %dma_start3A_496] : memref<819200x128xf32, #tpu.memory_space<hbm>> -> memref<160x128xf32, #tpu.memory_space<hbm>>
    %dma_start3A_498 = tpu.memref_slice %arg9[%dma_start3A_491] : memref<5x!tpu.dma_semaphore, #tpu.memory_space<semaphore_mem>> -> memref<1x!tpu.dma_semaphore, #tpu.memory_space<semaphore_mem>>
    %dma_start3A_499 = tpu.memref_squeeze %dma_start3A_498 : memref<1x!tpu.dma_semaphore, #tpu.memory_space<semaphore_mem>> -> memref<!tpu.dma_semaphore, #tpu.memory_space<semaphore_mem>>
    %dma_start3A_500 = arith.constant 0 : i32
    %dma_start3A_501 = tpu.memref_slice %arg4[%add3A_489, %dma_start3A_500] : memref<819200x128xf32, #tpu.memory_space<hbm>> -> memref<160x128xf32, #tpu.memory_space<hbm>>
    %dma_start3A_502 = arith.constant 0 : i32
    %dma_start3A_503 = arith.constant 0 : i32
    %dma_start3A_504 = tpu.memref_slice %arg6[%dma_start3A_490, %dma_start3A_502, %dma_start3A_503] : memref<5x160x128xf32, #tpu.memory_space<vmem>> -> memref<1x160x128xf32, #tpu.memory_space<vmem>>
    %dma_start3A_505 = tpu.memref_squeeze %dma_start3A_504 : memref<1x160x128xf32, #tpu.memory_space<vmem>> -> memref<160x128xf32, #tpu.memory_space<vmem>>
    tpu.enqueue_dma source(%dma_start3A_505 : memref<160x128xf32, #tpu.memory_space<vmem>>) target(%dma_start3A_501 : memref<160x128xf32, #tpu.memory_space<hbm>>) target_semaphore(%dma_start3A_499 : memref<!tpu.dma_semaphore, #tpu.memory_space<semaphore_mem>>)
    %multiple_of3A_506 = arith.constant 25280 : i32
    %multiple_of3A_507 = tpu.assume_multiple %multiple_of3A_506, 160 : i32
    %dma_wait3A_508 = arith.constant 3 : i32
    %dma_wait3A_509 = arith.constant 3 : i32
    %dma_wait3A_510 = arith.constant 0 : i32
    %dma_wait3A_511 = arith.constant 0 : i32
    %dma_wait3A_512 = tpu.memref_slice %arg6[%dma_wait3A_508, %dma_wait3A_510, %dma_wait3A_511] : memref<5x160x128xf32, #tpu.memory_space<vmem>> -> memref<1x160x128xf32, #tpu.memory_space<vmem>>
    %dma_wait3A_513 = tpu.memref_squeeze %dma_wait3A_512 : memref<1x160x128xf32, #tpu.memory_space<vmem>> -> memref<160x128xf32, #tpu.memory_space<vmem>>
    %dma_wait3A_514 = tpu.memref_slice %arg5[%multiple_of3A_507] : memref<25600xi32, #tpu.memory_space<vmem>> -> memref<160xi32, #tpu.memory_space<vmem>>
    %dma_wait3A_515 = arith.constant 0 : i32
    %dma_wait3A_516 = arith.constant 0 : i32
    %dma_wait3A_517 = tpu.memref_slice %arg7[%dma_wait3A_515, %dma_wait3A_516] : memref<100x128xf32, #tpu.memory_space<vmem_shared>> -> memref<100x128xf32, #tpu.memory_space<vmem_shared>>
    %dma_wait3A_518 = tpu.memref_slice %arg8[%dma_wait3A_509] : memref<5x!tpu.dma_semaphore, #tpu.memory_space<semaphore_mem>> -> memref<1x!tpu.dma_semaphore, #tpu.memory_space<semaphore_mem>>
    %dma_wait3A_519 = tpu.memref_squeeze %dma_wait3A_518 : memref<1x!tpu.dma_semaphore, #tpu.memory_space<semaphore_mem>> -> memref<!tpu.dma_semaphore, #tpu.memory_space<semaphore_mem>>
    tpu.wait_indirect_dma semaphore(%dma_wait3A_519 : memref<!tpu.dma_semaphore, #tpu.memory_space<semaphore_mem>>) src(%dma_wait3A_517 : memref<100x128xf32, #tpu.memory_space<vmem_shared>>) dst(%dma_wait3A_513 : memref<160x128xf32, #tpu.memory_space<vmem>>)
    %multiple_of3A_520 = arith.constant 25280 : i32
    %multiple_of3A_521 = tpu.assume_multiple %multiple_of3A_520, 160 : i32
    %add3A_522 = arith.addi %mul3A_2, %multiple_of3A_521 : i32
    %dma_start3A_523 = arith.constant 3 : i32
    %dma_start3A_524 = arith.constant 3 : i32
    %dma_start3A_525 = arith.constant 0 : i32
    %dma_start3A_526 = arith.constant 0 : i32
    %dma_start3A_527 = tpu.memref_slice %arg6[%dma_start3A_523, %dma_start3A_525, %dma_start3A_526] : memref<5x160x128xf32, #tpu.memory_space<vmem>> -> memref<1x160x128xf32, #tpu.memory_space<vmem>>
    %dma_start3A_528 = tpu.memref_squeeze %dma_start3A_527 : memref<1x160x128xf32, #tpu.memory_space<vmem>> -> memref<160x128xf32, #tpu.memory_space<vmem>>
    %dma_start3A_529 = arith.constant 0 : i32
    %dma_start3A_530 = tpu.memref_slice %arg4[%add3A_522, %dma_start3A_529] : memref<819200x128xf32, #tpu.memory_space<hbm>> -> memref<160x128xf32, #tpu.memory_space<hbm>>
    %dma_start3A_531 = tpu.memref_slice %arg9[%dma_start3A_524] : memref<5x!tpu.dma_semaphore, #tpu.memory_space<semaphore_mem>> -> memref<1x!tpu.dma_semaphore, #tpu.memory_space<semaphore_mem>>
    %dma_start3A_532 = tpu.memref_squeeze %dma_start3A_531 : memref<1x!tpu.dma_semaphore, #tpu.memory_space<semaphore_mem>> -> memref<!tpu.dma_semaphore, #tpu.memory_space<semaphore_mem>>
    %dma_start3A_533 = arith.constant 0 : i32
    %dma_start3A_534 = tpu.memref_slice %arg4[%add3A_522, %dma_start3A_533] : memref<819200x128xf32, #tpu.memory_space<hbm>> -> memref<160x128xf32, #tpu.memory_space<hbm>>
    %dma_start3A_535 = arith.constant 0 : i32
    %dma_start3A_536 = arith.constant 0 : i32
    %dma_start3A_537 = tpu.memref_slice %arg6[%dma_start3A_523, %dma_start3A_535, %dma_start3A_536] : memref<5x160x128xf32, #tpu.memory_space<vmem>> -> memref<1x160x128xf32, #tpu.memory_space<vmem>>
    %dma_start3A_538 = tpu.memref_squeeze %dma_start3A_537 : memref<1x160x128xf32, #tpu.memory_space<vmem>> -> memref<160x128xf32, #tpu.memory_space<vmem>>
    tpu.enqueue_dma source(%dma_start3A_538 : memref<160x128xf32, #tpu.memory_space<vmem>>) target(%dma_start3A_534 : memref<160x128xf32, #tpu.memory_space<hbm>>) target_semaphore(%dma_start3A_532 : memref<!tpu.dma_semaphore, #tpu.memory_space<semaphore_mem>>)
    %multiple_of3A_539 = arith.constant 25440 : i32
    %multiple_of3A_540 = tpu.assume_multiple %multiple_of3A_539, 160 : i32
    %dma_wait3A_541 = arith.constant 4 : i32
    %dma_wait3A_542 = arith.constant 4 : i32
    %dma_wait3A_543 = arith.constant 0 : i32
    %dma_wait3A_544 = arith.constant 0 : i32
    %dma_wait3A_545 = tpu.memref_slice %arg6[%dma_wait3A_541, %dma_wait3A_543, %dma_wait3A_544] : memref<5x160x128xf32, #tpu.memory_space<vmem>> -> memref<1x160x128xf32, #tpu.memory_space<vmem>>
    %dma_wait3A_546 = tpu.memref_squeeze %dma_wait3A_545 : memref<1x160x128xf32, #tpu.memory_space<vmem>> -> memref<160x128xf32, #tpu.memory_space<vmem>>
    %dma_wait3A_547 = tpu.memref_slice %arg5[%multiple_of3A_540] : memref<25600xi32, #tpu.memory_space<vmem>> -> memref<160xi32, #tpu.memory_space<vmem>>
    %dma_wait3A_548 = arith.constant 0 : i32
    %dma_wait3A_549 = arith.constant 0 : i32
    %dma_wait3A_550 = tpu.memref_slice %arg7[%dma_wait3A_548, %dma_wait3A_549] : memref<100x128xf32, #tpu.memory_space<vmem_shared>> -> memref<100x128xf32, #tpu.memory_space<vmem_shared>>
    %dma_wait3A_551 = tpu.memref_slice %arg8[%dma_wait3A_542] : memref<5x!tpu.dma_semaphore, #tpu.memory_space<semaphore_mem>> -> memref<1x!tpu.dma_semaphore, #tpu.memory_space<semaphore_mem>>
    %dma_wait3A_552 = tpu.memref_squeeze %dma_wait3A_551 : memref<1x!tpu.dma_semaphore, #tpu.memory_space<semaphore_mem>> -> memref<!tpu.dma_semaphore, #tpu.memory_space<semaphore_mem>>
    tpu.wait_indirect_dma semaphore(%dma_wait3A_552 : memref<!tpu.dma_semaphore, #tpu.memory_space<semaphore_mem>>) src(%dma_wait3A_550 : memref<100x128xf32, #tpu.memory_space<vmem_shared>>) dst(%dma_wait3A_546 : memref<160x128xf32, #tpu.memory_space<vmem>>)
    %multiple_of3A_553 = arith.constant 25440 : i32
    %multiple_of3A_554 = tpu.assume_multiple %multiple_of3A_553, 160 : i32
    %add3A_555 = arith.addi %mul3A_2, %multiple_of3A_554 : i32
    %dma_start3A_556 = arith.constant 4 : i32
    %dma_start3A_557 = arith.constant 4 : i32
    %dma_start3A_558 = arith.constant 0 : i32
    %dma_start3A_559 = arith.constant 0 : i32
    %dma_start3A_560 = tpu.memref_slice %arg6[%dma_start3A_556, %dma_start3A_558, %dma_start3A_559] : memref<5x160x128xf32, #tpu.memory_space<vmem>> -> memref<1x160x128xf32, #tpu.memory_space<vmem>>
    %dma_start3A_561 = tpu.memref_squeeze %dma_start3A_560 : memref<1x160x128xf32, #tpu.memory_space<vmem>> -> memref<160x128xf32, #tpu.memory_space<vmem>>
    %dma_start3A_562 = arith.constant 0 : i32
    %dma_start3A_563 = tpu.memref_slice %arg4[%add3A_555, %dma_start3A_562] : memref<819200x128xf32, #tpu.memory_space<hbm>> -> memref<160x128xf32, #tpu.memory_space<hbm>>
    %dma_start3A_564 = tpu.memref_slice %arg9[%dma_start3A_557] : memref<5x!tpu.dma_semaphore, #tpu.memory_space<semaphore_mem>> -> memref<1x!tpu.dma_semaphore, #tpu.memory_space<semaphore_mem>>
    %dma_start3A_565 = tpu.memref_squeeze %dma_start3A_564 : memref<1x!tpu.dma_semaphore, #tpu.memory_space<semaphore_mem>> -> memref<!tpu.dma_semaphore, #tpu.memory_space<semaphore_mem>>
    %dma_start3A_566 = arith.constant 0 : i32
    %dma_start3A_567 = tpu.memref_slice %arg4[%add3A_555, %dma_start3A_566] : memref<819200x128xf32, #tpu.memory_space<hbm>> -> memref<160x128xf32, #tpu.memory_space<hbm>>
    %dma_start3A_568 = arith.constant 0 : i32
    %dma_start3A_569 = arith.constant 0 : i32
    %dma_start3A_570 = tpu.memref_slice %arg6[%dma_start3A_556, %dma_start3A_568, %dma_start3A_569] : memref<5x160x128xf32, #tpu.memory_space<vmem>> -> memref<1x160x128xf32, #tpu.memory_space<vmem>>
    %dma_start3A_571 = tpu.memref_squeeze %dma_start3A_570 : memref<1x160x128xf32, #tpu.memory_space<vmem>> -> memref<160x128xf32, #tpu.memory_space<vmem>>
    tpu.enqueue_dma source(%dma_start3A_571 : memref<160x128xf32, #tpu.memory_space<vmem>>) target(%dma_start3A_567 : memref<160x128xf32, #tpu.memory_space<hbm>>) target_semaphore(%dma_start3A_565 : memref<!tpu.dma_semaphore, #tpu.memory_space<semaphore_mem>>)
    %multiple_of3A_572 = arith.constant 24800 : i32
    %multiple_of3A_573 = tpu.assume_multiple %multiple_of3A_572, 160 : i32
    %add3A_574 = arith.addi %mul3A_2, %multiple_of3A_573 : i32
    %dma_wait3A_575 = arith.constant 0 : i32
    %dma_wait3A_576 = arith.constant 0 : i32
    %dma_wait3A_577 = arith.constant 0 : i32
    %dma_wait3A_578 = arith.constant 0 : i32
    %dma_wait3A_579 = tpu.memref_slice %arg6[%dma_wait3A_575, %dma_wait3A_577, %dma_wait3A_578] : memref<5x160x128xf32, #tpu.memory_space<vmem>> -> memref<1x160x128xf32, #tpu.memory_space<vmem>>
    %dma_wait3A_580 = tpu.memref_squeeze %dma_wait3A_579 : memref<1x160x128xf32, #tpu.memory_space<vmem>> -> memref<160x128xf32, #tpu.memory_space<vmem>>
    %dma_wait3A_581 = arith.constant 0 : i32
    %dma_wait3A_582 = tpu.memref_slice %arg4[%add3A_574, %dma_wait3A_581] : memref<819200x128xf32, #tpu.memory_space<hbm>> -> memref<160x128xf32, #tpu.memory_space<hbm>>
    %dma_wait3A_583 = tpu.memref_slice %arg9[%dma_wait3A_576] : memref<5x!tpu.dma_semaphore, #tpu.memory_space<semaphore_mem>> -> memref<1x!tpu.dma_semaphore, #tpu.memory_space<semaphore_mem>>
    %dma_wait3A_584 = tpu.memref_squeeze %dma_wait3A_583 : memref<1x!tpu.dma_semaphore, #tpu.memory_space<semaphore_mem>> -> memref<!tpu.dma_semaphore, #tpu.memory_space<semaphore_mem>>
    %dma_wait3A_585 = arith.constant 0 : i32
    %dma_wait3A_586 = tpu.memref_slice %arg4[%add3A_574, %dma_wait3A_585] : memref<819200x128xf32, #tpu.memory_space<hbm>> -> memref<160x128xf32, #tpu.memory_space<hbm>>
    %dma_wait3A_587 = arith.constant 0 : i32
    %dma_wait3A_588 = arith.constant 0 : i32
    %dma_wait3A_589 = tpu.memref_slice %arg6[%dma_wait3A_575, %dma_wait3A_587, %dma_wait3A_588] : memref<5x160x128xf32, #tpu.memory_space<vmem>> -> memref<1x160x128xf32, #tpu.memory_space<vmem>>
    %dma_wait3A_590 = tpu.memref_squeeze %dma_wait3A_589 : memref<1x160x128xf32, #tpu.memory_space<vmem>> -> memref<160x128xf32, #tpu.memory_space<vmem>>
    tpu.wait_dma2 semaphore(%dma_wait3A_584 : memref<!tpu.dma_semaphore, #tpu.memory_space<semaphore_mem>>) src(%dma_wait3A_590 : memref<160x128xf32, #tpu.memory_space<vmem>>) dst(%dma_wait3A_586 : memref<160x128xf32, #tpu.memory_space<hbm>>)
    %multiple_of3A_591 = arith.constant 24960 : i32
    %multiple_of3A_592 = tpu.assume_multiple %multiple_of3A_591, 160 : i32
    %add3A_593 = arith.addi %mul3A_2, %multiple_of3A_592 : i32
    %dma_wait3A_594 = arith.constant 1 : i32
    %dma_wait3A_595 = arith.constant 1 : i32
    %dma_wait3A_596 = arith.constant 0 : i32
    %dma_wait3A_597 = arith.constant 0 : i32
    %dma_wait3A_598 = tpu.memref_slice %arg6[%dma_wait3A_594, %dma_wait3A_596, %dma_wait3A_597] : memref<5x160x128xf32, #tpu.memory_space<vmem>> -> memref<1x160x128xf32, #tpu.memory_space<vmem>>
    %dma_wait3A_599 = tpu.memref_squeeze %dma_wait3A_598 : memref<1x160x128xf32, #tpu.memory_space<vmem>> -> memref<160x128xf32, #tpu.memory_space<vmem>>
    %dma_wait3A_600 = arith.constant 0 : i32
    %dma_wait3A_601 = tpu.memref_slice %arg4[%add3A_593, %dma_wait3A_600] : memref<819200x128xf32, #tpu.memory_space<hbm>> -> memref<160x128xf32, #tpu.memory_space<hbm>>
    %dma_wait3A_602 = tpu.memref_slice %arg9[%dma_wait3A_595] : memref<5x!tpu.dma_semaphore, #tpu.memory_space<semaphore_mem>> -> memref<1x!tpu.dma_semaphore, #tpu.memory_space<semaphore_mem>>
    %dma_wait3A_603 = tpu.memref_squeeze %dma_wait3A_602 : memref<1x!tpu.dma_semaphore, #tpu.memory_space<semaphore_mem>> -> memref<!tpu.dma_semaphore, #tpu.memory_space<semaphore_mem>>
    %dma_wait3A_604 = arith.constant 0 : i32
    %dma_wait3A_605 = tpu.memref_slice %arg4[%add3A_593, %dma_wait3A_604] : memref<819200x128xf32, #tpu.memory_space<hbm>> -> memref<160x128xf32, #tpu.memory_space<hbm>>
    %dma_wait3A_606 = arith.constant 0 : i32
    %dma_wait3A_607 = arith.constant 0 : i32
    %dma_wait3A_608 = tpu.memref_slice %arg6[%dma_wait3A_594, %dma_wait3A_606, %dma_wait3A_607] : memref<5x160x128xf32, #tpu.memory_space<vmem>> -> memref<1x160x128xf32, #tpu.memory_space<vmem>>
    %dma_wait3A_609 = tpu.memref_squeeze %dma_wait3A_608 : memref<1x160x128xf32, #tpu.memory_space<vmem>> -> memref<160x128xf32, #tpu.memory_space<vmem>>
    tpu.wait_dma2 semaphore(%dma_wait3A_603 : memref<!tpu.dma_semaphore, #tpu.memory_space<semaphore_mem>>) src(%dma_wait3A_609 : memref<160x128xf32, #tpu.memory_space<vmem>>) dst(%dma_wait3A_605 : memref<160x128xf32, #tpu.memory_space<hbm>>)
    %multiple_of3A_610 = arith.constant 25120 : i32
    %multiple_of3A_611 = tpu.assume_multiple %multiple_of3A_610, 160 : i32
    %add3A_612 = arith.addi %mul3A_2, %multiple_of3A_611 : i32
    %dma_wait3A_613 = arith.constant 2 : i32
    %dma_wait3A_614 = arith.constant 2 : i32
    %dma_wait3A_615 = arith.constant 0 : i32
    %dma_wait3A_616 = arith.constant 0 : i32
    %dma_wait3A_617 = tpu.memref_slice %arg6[%dma_wait3A_613, %dma_wait3A_615, %dma_wait3A_616] : memref<5x160x128xf32, #tpu.memory_space<vmem>> -> memref<1x160x128xf32, #tpu.memory_space<vmem>>
    %dma_wait3A_618 = tpu.memref_squeeze %dma_wait3A_617 : memref<1x160x128xf32, #tpu.memory_space<vmem>> -> memref<160x128xf32, #tpu.memory_space<vmem>>
    %dma_wait3A_619 = arith.constant 0 : i32
    %dma_wait3A_620 = tpu.memref_slice %arg4[%add3A_612, %dma_wait3A_619] : memref<819200x128xf32, #tpu.memory_space<hbm>> -> memref<160x128xf32, #tpu.memory_space<hbm>>
    %dma_wait3A_621 = tpu.memref_slice %arg9[%dma_wait3A_614] : memref<5x!tpu.dma_semaphore, #tpu.memory_space<semaphore_mem>> -> memref<1x!tpu.dma_semaphore, #tpu.memory_space<semaphore_mem>>
    %dma_wait3A_622 = tpu.memref_squeeze %dma_wait3A_621 : memref<1x!tpu.dma_semaphore, #tpu.memory_space<semaphore_mem>> -> memref<!tpu.dma_semaphore, #tpu.memory_space<semaphore_mem>>
    %dma_wait3A_623 = arith.constant 0 : i32
    %dma_wait3A_624 = tpu.memref_slice %arg4[%add3A_612, %dma_wait3A_623] : memref<819200x128xf32, #tpu.memory_space<hbm>> -> memref<160x128xf32, #tpu.memory_space<hbm>>
    %dma_wait3A_625 = arith.constant 0 : i32
    %dma_wait3A_626 = arith.constant 0 : i32
    %dma_wait3A_627 = tpu.memref_slice %arg6[%dma_wait3A_613, %dma_wait3A_625, %dma_wait3A_626] : memref<5x160x128xf32, #tpu.memory_space<vmem>> -> memref<1x160x128xf32, #tpu.memory_space<vmem>>
    %dma_wait3A_628 = tpu.memref_squeeze %dma_wait3A_627 : memref<1x160x128xf32, #tpu.memory_space<vmem>> -> memref<160x128xf32, #tpu.memory_space<vmem>>
    tpu.wait_dma2 semaphore(%dma_wait3A_622 : memref<!tpu.dma_semaphore, #tpu.memory_space<semaphore_mem>>) src(%dma_wait3A_628 : memref<160x128xf32, #tpu.memory_space<vmem>>) dst(%dma_wait3A_624 : memref<160x128xf32, #tpu.memory_space<hbm>>)
    %multiple_of3A_629 = arith.constant 25280 : i32
    %multiple_of3A_630 = tpu.assume_multiple %multiple_of3A_629, 160 : i32
    %add3A_631 = arith.addi %mul3A_2, %multiple_of3A_630 : i32
    %dma_wait3A_632 = arith.constant 3 : i32
    %dma_wait3A_633 = arith.constant 3 : i32
    %dma_wait3A_634 = arith.constant 0 : i32
    %dma_wait3A_635 = arith.constant 0 : i32
    %dma_wait3A_636 = tpu.memref_slice %arg6[%dma_wait3A_632, %dma_wait3A_634, %dma_wait3A_635] : memref<5x160x128xf32, #tpu.memory_space<vmem>> -> memref<1x160x128xf32, #tpu.memory_space<vmem>>
    %dma_wait3A_637 = tpu.memref_squeeze %dma_wait3A_636 : memref<1x160x128xf32, #tpu.memory_space<vmem>> -> memref<160x128xf32, #tpu.memory_space<vmem>>
    %dma_wait3A_638 = arith.constant 0 : i32
    %dma_wait3A_639 = tpu.memref_slice %arg4[%add3A_631, %dma_wait3A_638] : memref<819200x128xf32, #tpu.memory_space<hbm>> -> memref<160x128xf32, #tpu.memory_space<hbm>>
    %dma_wait3A_640 = tpu.memref_slice %arg9[%dma_wait3A_633] : memref<5x!tpu.dma_semaphore, #tpu.memory_space<semaphore_mem>> -> memref<1x!tpu.dma_semaphore, #tpu.memory_space<semaphore_mem>>
    %dma_wait3A_641 = tpu.memref_squeeze %dma_wait3A_640 : memref<1x!tpu.dma_semaphore, #tpu.memory_space<semaphore_mem>> -> memref<!tpu.dma_semaphore, #tpu.memory_space<semaphore_mem>>
    %dma_wait3A_642 = arith.constant 0 : i32
    %dma_wait3A_643 = tpu.memref_slice %arg4[%add3A_631, %dma_wait3A_642] : memref<819200x128xf32, #tpu.memory_space<hbm>> -> memref<160x128xf32, #tpu.memory_space<hbm>>
    %dma_wait3A_644 = arith.constant 0 : i32
    %dma_wait3A_645 = arith.constant 0 : i32
    %dma_wait3A_646 = tpu.memref_slice %arg6[%dma_wait3A_632, %dma_wait3A_644, %dma_wait3A_645] : memref<5x160x128xf32, #tpu.memory_space<vmem>> -> memref<1x160x128xf32, #tpu.memory_space<vmem>>
    %dma_wait3A_647 = tpu.memref_squeeze %dma_wait3A_646 : memref<1x160x128xf32, #tpu.memory_space<vmem>> -> memref<160x128xf32, #tpu.memory_space<vmem>>
    tpu.wait_dma2 semaphore(%dma_wait3A_641 : memref<!tpu.dma_semaphore, #tpu.memory_space<semaphore_mem>>) src(%dma_wait3A_647 : memref<160x128xf32, #tpu.memory_space<vmem>>) dst(%dma_wait3A_643 : memref<160x128xf32, #tpu.memory_space<hbm>>)
    %multiple_of3A_648 = arith.constant 25440 : i32
    %multiple_of3A_649 = tpu.assume_multiple %multiple_of3A_648, 160 : i32
    %add3A_650 = arith.addi %mul3A_2, %multiple_of3A_649 : i32
    %dma_wait3A_651 = arith.constant 4 : i32
    %dma_wait3A_652 = arith.constant 4 : i32
    %dma_wait3A_653 = arith.constant 0 : i32
    %dma_wait3A_654 = arith.constant 0 : i32
    %dma_wait3A_655 = tpu.memref_slice %arg6[%dma_wait3A_651, %dma_wait3A_653, %dma_wait3A_654] : memref<5x160x128xf32, #tpu.memory_space<vmem>> -> memref<1x160x128xf32, #tpu.memory_space<vmem>>
    %dma_wait3A_656 = tpu.memref_squeeze %dma_wait3A_655 : memref<1x160x128xf32, #tpu.memory_space<vmem>> -> memref<160x128xf32, #tpu.memory_space<vmem>>
    %dma_wait3A_657 = arith.constant 0 : i32
    %dma_wait3A_658 = tpu.memref_slice %arg4[%add3A_650, %dma_wait3A_657] : memref<819200x128xf32, #tpu.memory_space<hbm>> -> memref<160x128xf32, #tpu.memory_space<hbm>>
    %dma_wait3A_659 = tpu.memref_slice %arg9[%dma_wait3A_652] : memref<5x!tpu.dma_semaphore, #tpu.memory_space<semaphore_mem>> -> memref<1x!tpu.dma_semaphore, #tpu.memory_space<semaphore_mem>>
    %dma_wait3A_660 = tpu.memref_squeeze %dma_wait3A_659 : memref<1x!tpu.dma_semaphore, #tpu.memory_space<semaphore_mem>> -> memref<!tpu.dma_semaphore, #tpu.memory_space<semaphore_mem>>
    %dma_wait3A_661 = arith.constant 0 : i32
    %dma_wait3A_662 = tpu.memref_slice %arg4[%add3A_650, %dma_wait3A_661] : memref<819200x128xf32, #tpu.memory_space<hbm>> -> memref<160x128xf32, #tpu.memory_space<hbm>>
    %dma_wait3A_663 = arith.constant 0 : i32
    %dma_wait3A_664 = arith.constant 0 : i32
    %dma_wait3A_665 = tpu.memref_slice %arg6[%dma_wait3A_651, %dma_wait3A_663, %dma_wait3A_664] : memref<5x160x128xf32, #tpu.memory_space<vmem>> -> memref<1x160x128xf32, #tpu.memory_space<vmem>>
    %dma_wait3A_666 = tpu.memref_squeeze %dma_wait3A_665 : memref<1x160x128xf32, #tpu.memory_space<vmem>> -> memref<160x128xf32, #tpu.memory_space<vmem>>
    tpu.wait_dma2 semaphore(%dma_wait3A_660 : memref<!tpu.dma_semaphore, #tpu.memory_space<semaphore_mem>>) src(%dma_wait3A_666 : memref<160x128xf32, #tpu.memory_space<vmem>>) dst(%dma_wait3A_662 : memref<160x128xf32, #tpu.memory_space<hbm>>)
    return
  }
}

module attributes {stable_mosaic.version = 14 : i64} {
  func.func @_table_body(%arg0: memref<100x128xf32, #tpu.memory_space<vmem>>, %arg1: memref<128x128xf32, #tpu.memory_space<vmem>>, %arg2: memref<1x128xf32, #tpu.memory_space<vmem>>, %arg3: memref<100x128xf32, #tpu.memory_space<vmem>>) attributes {dimension_semantics = [], scalar_prefetch = 0 : i64, scratch_operands = 0 : i64, tpu.core_type = #tpu.core_type<tc>} {
    %get3A = arith.constant 0 : index
    %get3A_0 = arith.constant 0 : index
    %get3A_1 = vector.load %arg0[%get3A, %get3A_0] : memref<100x128xf32, #tpu.memory_space<vmem>>, vector<100x128xf32>
    %get3A_2 = arith.constant 0 : index
    %get3A_3 = arith.constant 0 : index
    %get3A_4 = vector.load %arg1[%get3A_2, %get3A_3] : memref<128x128xf32, #tpu.memory_space<vmem>>, vector<128x128xf32>
    %dot_general3A = arith.constant dense<0.000000e+00> : vector<100x128xf32>
    %dot_general3A_5 = tpu.matmul %get3A_1, %get3A_4, %dot_general3A {dimension_numbers = #tpu.dot_dimension_numbers<[1], [1], [0], [0], [0, 0, 1, 0], [], []>, transpose_lhs_hint = false} : vector<100x128xf32>, vector<128x128xf32>, vector<100x128xf32> -> vector<100x128xf32>
    %get3A_6 = arith.constant 0 : index
    %get3A_7 = arith.constant 0 : index
    %get3A_8 = vector.load %arg2[%get3A_6, %get3A_7] : memref<1x128xf32, #tpu.memory_space<vmem>>, vector<1x128xf32>
    %add3A = vector.broadcast %get3A_8 : vector<1x128xf32> to vector<100x128xf32>
    %add3A_9 = arith.addf %dot_general3A_5, %add3A : vector<100x128xf32>
    %swap3A = arith.constant 0 : index
    %swap3A_10 = arith.constant 0 : index
    %swap3A_11 = vector.load %arg3[%swap3A, %swap3A_10] : memref<100x128xf32, #tpu.memory_space<vmem>>, vector<100x128xf32>
    tpu.vector_store %arg3[%swap3A, %swap3A_10], %add3A_9 {strides = array<i32>} : memref<100x128xf32, #tpu.memory_space<vmem>>, vector<100x128xf32>,
    return
  }
}

</mosaic_0001>

<sc_bundles>
// kernel: kernel.4.cloned.1.call-start
scs
__scs_entry_jumppad:
0x0: {  	(pc) =	sbr.rel $0x88, $3  }
0x1: {  	(tag) =	ssettag $0x0;
	lr =	simm.s32 $0x1  }
0x2: {  	[smem:$0x3F9D] =	sst lr;
	_ =	strace $0xD0000000  }
0x3: {  	_ = 	snop  }
0x4: {  	_ = 	snop  }
0x5: {  	_ = 	snop  }
0x6: {  	_ = 	snop  }
0x7: {  	_ = 	snop  }
__scs_overlays_trampoline_lowered:
0x8: {  	[smem:$0x3FAC] =	sst s0  }
0x9: {  	[smem:$0x3FAD] =	sst s1  }
0xa: {  	[smem:$0x3FAE] =	sst s2  }
0xb: {  	[smem:$0x3FAF] =	sst s3  }
0xc: {  	[smem:$0x3FB0] =	sst s4  }
0xd: {  	[smem:$0x3FB1] =	sst s5  }
0xe: {  	[smem:$0x3FB2] =	sst s6  }
0xf: {  	[smem:$0x3FB3] =	sst s7  }
0x10: {  	[smem:$0x3FB4] =	sst s8  }
0x11: {  	[smem:$0x3FB5] =	sst s9;
	s0 =	simm.s32 @!p0 $0x0  }
0x12: {  	s1 =	sld [smem:$0x3F9B];
	s0 =	simm.s32 @p0 $0x1  }
0x13: {  	[smem:$0x3FB6] =	sst s0;
	s0 =	simm.s32 @!p1 $0x0  }
0x14: {  	s2 =	sld [smem:$0x3F9A];
	s0 =	simm.s32 @p1 $0x1  }
0x15: {  	[smem:$0x3FB7] =	sst s0;
	s0 =	simm.s32 @!p2 $0x0  }
0x16: {  	s3 =	sld [smem:$0x3FDB];
	s0 =	simm.s32 @p2 $0x1  }
0x17: {  	s4 =	simm.s32 $0x1BF5;
	[smem:$0x3FB9] =	sst s0  }
0x18: {  	s0 =	sld [smem:$0x3F9C];
	_ =	swait.ge [sflag:s4], $0x0  }
0x19: {  	s7 =	sld [smem:$0x3F9D]  }
0x1a: {  	s8 =	sadd.s32 $0xFFFFE003, lr  }
0x1b: {  	s9 =	sadd.s32 $0xFFFFFEF7, lr;
	s5 =	simm.s32 $0xFFFFFFFF;
	p2 =	slt.u32 s8, $0xFFFFF086  }
0x1c: {  	p1 =	slt.u32 s9, $0xF7A;
	s5 =	simm.s32 @!p2 $0x0  }
0x1d: {  	s5 =	simm.s32 @p1 $0x1;
	p0 =	seq.s32 s7, s2  }
0x1e: {  	s7 =	smul.u32 @!p0 $0xF7A, s2;
	p2 =	seq.s32 @!p0 s5, $0x0  }
0x1f: {  	s9 =	smul.u32 $0xF7A, s1;
	s8 =	simm.s32 @!p0 $0x1BF5;
	p2 =	por !p2, p0  }
0x20: {  	[sflag:s8] =	ssyncset.s32 @!p0 $0xFFFFF086;
	s6 =	sadd.s32 @!p0 s3, s7;
	s7 =	simm.s32 @!p0 $0x108  }
0x21: {  	s3 =	sadd.s32 s3, s9;
	s6 =	sadd.s32 @!p0 $0x88, s6;
	s7 =	simm.s32 @p2 $0x1082  }
0x22: {  	[simem:s7], [sflag:s8] =	dma.local @!p0 [hbm:s6], $0xF7A  }
0x23: {  	s9 =	sor.u32 $0xD0000000, s2;
	s6 =	simm.s32 $0x108;
	_ =	swait.ge @!p0 [sflag:s8], $0x0  }
0x24: {  	s3 =	sadd.s32 $0x88, s3;
	s6 =	simm.s32 @!p1 $0x1082;
	[sflag:s4] =	ssyncset.s32 $0xFFFFF086  }
0x25: {  	[simem:s6], [sflag:s4] =	dma.local [hbm:s3], $0xF7A  }
0x26: {  	[smem:$0x3F9D] =	sst s1;
	(tag) =	ssettag s2;
	_ =	strace s9  }
0x27: {  	s1 =	sld [smem:$0x3FAD]  }
0x28: {  	s2 =	sld [smem:$0x3FAE]  }
0x29: {  	s4 =	sld [smem:$0x3FB0]  }
0x2a: {  	p0 =	seq.s32 s5, $0x0;
	s5 =	sld [smem:$0x3FB1]  }
0x2b: {  	s6 =	sld [smem:$0x3FB2]  }
0x2c: {  	s7 =	sld [smem:$0x3FB3]  }
0x2d: {  	s3 =	simm.s32 $0x108;
	s8 =	sld [smem:$0x3FB4]  }
0x2e: {  	s3 =	simm.s32 @!p0 $0x1082;
	s9 =	sld [smem:$0x3FB5]  }
0x2f: {  	lr =	sadd.s32 s0, s3;
	s0 =	sld [smem:$0x3FAC]  }
0x30: {  	s3 =	sld [smem:$0x3FAF]  }
0x31: {  	[smem:$0x3FB8] =	sst s10  }
0x32: {  	s10 =	sld [smem:$0x3FB6];
	_ =	sdelay $0x3  }
0x33: {  	p0 =	seq.s32 s10, $0x1;
	s10 =	sld [smem:$0x3FB8];
	_ =	sdelay $0x3  }
0x34: {  	[smem:$0x3FB8] =	sst s10  }
0x35: {  	s10 =	sld [smem:$0x3FB7];
	_ =	sdelay $0x3  }
0x36: {  	p1 =	seq.s32 s10, $0x1;
	s10 =	sld [smem:$0x3FB8];
	_ =	sdelay $0x3  }
0x37: {  	[smem:$0x3FB8] =	sst s10  }
0x38: {  	s10 =	sld [smem:$0x3FB9]  }
0x39: {  	_ = 	snop;
	(pc) =	sbr.ind lr, $3  }
0x3a: {  	_ = 	snop  }
0x3b: {  	_ = 	snop  }
0x3c: {  	p2 =	seq.s32 s10, $0x1;
	s10 =	sld [smem:$0x3FB8]  }
0x3d: {  	_ =	shalt  }
0x3e: {  	_ =	shalt  }
0x3f: {  	_ =	shalt  }
0x40: {  	_ =	shalt  }
0x41: {  	_ =	shalt  }
0x42: {  	_ =	shalt  }
0x43: {  	_ =	shalt  }
0x44: {  	_ =	shalt  }
0x45: {  	_ =	shalt  }
0x46: {  	_ =	shalt  }
0x47: {  	_ =	shalt  }
0x48: {  	_ =	shalt  }
0x49: {  	_ =	shalt  }
0x4a: {  	_ =	shalt  }
0x4b: {  	_ =	shalt  }
0x4c: {  	_ =	shalt  }
0x4d: {  	_ =	shalt  }
0x4e: {  	_ =	shalt  }
0x4f: {  	_ =	shalt  }
0x50: {  	_ =	shalt  }
0x51: {  	_ =	shalt  }
0x52: {  	_ =	shalt  }
0x53: {  	_ =	shalt  }
0x54: {  	_ =	shalt  }
0x55: {  	_ =	shalt  }
0x56: {  	_ =	shalt  }
0x57: {  	_ =	shalt  }
0x58: {  	_ =	shalt  }
0x59: {  	_ =	shalt  }
0x5a: {  	_ =	shalt  }
0x5b: {  	_ =	shalt  }
0x5c: {  	_ =	shalt  }
0x5d: {  	_ =	shalt  }
0x5e: {  	_ =	shalt  }
0x5f: {  	_ =	shalt  }
0x60: {  	_ =	shalt  }
0x61: {  	_ =	shalt  }
0x62: {  	_ =	shalt  }
0x63: {  	_ =	shalt  }
0x64: {  	_ =	shalt  }
0x65: {  	_ =	shalt  }
0x66: {  	_ =	shalt  }
0x67: {  	_ =	shalt  }
0x68: {  	_ =	shalt  }
0x69: {  	_ =	shalt  }
0x6a: {  	_ =	shalt  }
0x6b: {  	_ =	shalt  }
0x6c: {  	_ =	shalt  }
0x6d: {  	_ =	shalt  }
0x6e: {  	_ =	shalt  }
0x6f: {  	_ =	shalt  }
0x70: {  	_ =	shalt  }
0x71: {  	_ =	shalt  }
0x72: {  	_ =	shalt  }
0x73: {  	_ =	shalt  }
0x74: {  	_ =	shalt  }
0x75: {  	_ =	shalt  }
0x76: {  	_ =	shalt  }
0x77: {  	_ =	shalt  }
0x78: {  	_ =	shalt  }
0x79: {  	_ =	shalt  }
0x7a: {  	_ =	shalt  }
0x7b: {  	_ =	shalt  }
0x7c: {  	_ =	shalt  }
0x7d: {  	_ =	shalt  }
0x7e: {  	_ =	shalt  }
0x7f: {  	_ =	shalt  }
0x80: {  	_ =	shalt  }
0x81: {  	_ =	shalt  }
0x82: {  	_ =	shalt  }
0x83: {  	_ =	shalt  }
0x84: {  	_ =	shalt  }
0x85: {  	_ =	shalt  }
0x86: {  	_ =	shalt  }
0x87: {  	_ =	shalt  }
.Lfunc_end0:
.L_simem_size_0:
called_computation_lowered:
.L_overlay_start_0:
0x88: {  	s2 =	sld [smem:$0x3FD9]  }
0x89: {  	s3 =	sld [smem:$0x3FFE];
	_ =	sdelay $0x1  }
0x8a: {  	s1 =	srdreg.scid  }
0x8b: {  	s0 =	sand.u32 $0x1, s1  }
0x8c: {  	s17 =	sshll.u32 s0, $0xA;
	s2 =	sadd.s32 s3, s2  }
0x8d: {  	s2 =	sadd.s32 s2, s17  }
0x8e: {  	[smem:$0x3FC4] =	sst s2  }
0x8f: {  	_ = 	snop  }
0x90: {  	s2 =	sld [smem:$0x3FD0];
	(tm) =	ssettm $0x1  }
0x91: {  	s18 =	sld [smem:$0x3FFB];
	_ =	sdelay $0x3  }
0x92: {  	_ =	strace s18  }
0x93: {  	s3 =	sld [smem:$0x3FFC];
	_ =	sdelay $0x3  }
0x94: {  	_ =	strace s3  }
0x95: {  	s3 =	sld [smem:$0x3FFD];
	_ =	sdelay $0x3  }
0x96: {  	_ =	strace s3  }
0x97: {  	_ =	strace $0x8FFFFFFF  }
0x98: {  	s19 =	sld [smem:$0x3FDB];
	_ =	sdelay $0x1  }
0x99: {  	s4 =	simm.s32 $_scs_section_size  }
0x9a: {  	s5 =	simm.s32 $_size__tile_overlayer_lowered;
	s6 =	simm.s32 $_tile_overlayer_lowered  }
0x9b: {  	s22 =	simm.s32 $0x1BFF;
	s21 =	sshll.u32 s6, $0x1;
	s3 =	sadd.s32 s4, s19  }
0x9c: {  	s7 =	simm.s32 $0x0;
	s20 =	sshll.u32 s5, $0x1;
	s5 =	sadd.s32 s21, s3  }
0x9d: {  	[timem:s7], [sflag:s22] =	dma.local [hbm:s5], s20  }
0x9e: {  	_ =	swait.ge [sflag:s22], s20  }
0x9f: {  	s4 =	ssub.s32 $0x0, s20;
	[sflag:s22] =	ssyncset.done $0x0  }
0xa0: {  	[sflag:s22] =	ssyncadd.s32 s4;
	_ =	sdelay $0x1  }
0xa1: {  	s23 =	simm.s32 $0x1B8B  }
0xa2: {  	_ =	swait.ge [sflag:s23], $0x1  }
0xa3: {  	[sflag:s23] =	ssyncset.done $0x0  }
0xa4: {  	s25 =	simm.s32 $0x1B8E;
	s24 =	sld [smem:$0x3FFE];
	[sflag:s23] =	ssyncadd.s32 $0xFFFFFFFF  }
0xa5: {  	s26 =	simm.s32 $execute0_lowered;
	[smem:$0x3FD2] =	sst s25  }
0xa6: {  	s5 =	sshll.u32 s26, $0x1;
	_ =	strace $0x80000046;
	[dreg:$0x1] =	wrdreg $0xFFFFFFFF  }
0xa7: {  	s28 =	simm.s32 $_size_execute0_lowered;
	s3 =	sadd.s32 s3, s5;
	[dreg:$0x0] =	wrdreg $0x0  }
0xa8: {  	s5 =	sshll.u32 s28, $0x1;
	[dreg:$0x2] =	wrdreg s3  }
0xa9: {  	[dreg:$0x3] =	wrdreg s5  }
0xaa: {  	[dreg:$0x4] =	wrdreg $0xC0  }
0xab: {  	_ =	task [dreg:s7], $0x5FFFF  }
0xac: {  	[dreg:$0x1] =	wrdreg $0xFFFFFFFF  }
0xad: {  	[dreg:$0x0] =	wrdreg $0x60  }
0xae: {  	[dreg:$0x2] =	wrdreg s24  }
0xaf: {  	[dreg:$0x3] =	wrdreg s2  }
0xb0: {  	[dreg:$0x4] =	wrdreg $0x1F4000  }
0xb1: {  	[dreg:$0x5] =	wrdreg $0x9  }
0xb2: {  	_ =	task.clear_ibuf [dreg:s7], $0x6FFFF;
	_ =	strace $0x90000046  }
0xb3: {  	s29 =	simm.s32 $0x9;
	_ =	strace $0x80000048  }
0xb4: {  	_ =	swait.ge [sflag:s29], $0x1  }
0xb5: {  	[sflag:s29] =	ssyncadd.s32 $0xFFFFFFFF  }
0xb6: {  	_ =	strace $0x90000048  }
0xb7: {  	_ =	sfence  }
0xb8: {  	s30 =	sld [smem:$0x0];
	_ =	sdelay $0x2  }
0xb9: {  	s31 =	sshll.u32 s1, $0xD;
	s1 =	sshrl.u32 s1, $0x2  }
0xba: {  	s3 =	sand.u32 $0x4000, s31;
	s1 =	sadd.s32 s1, s30  }
0xbb: {  	s0 =	sor.u32 s3, s0;
	s1 =	sshll.u32 s1, $0x11  }
0xbc: {  	s0 =	sor.u32 s1, s0  }
0xbd: {  	s0 =	sadd.s32 $0x8F2B, s0  }
0xbe: {  	[sflag:s0] =	ssyncadd.remote.s32 $0x1  }
0xbf: {  	_ =	sfence.sel $0xFFFF  }
0xc0: {  	[dreg:$0x0] =	wrdreg $0xFFFFFFFF;
	(pc) =	sbr.abs _section_cstart, $3  }
0xc1: {  	[dreg:$0x1] =	wrdreg $0xFFFFFFFF  }
0xc2: {  	_ =	task.clear_ibuf [dreg:s7], $0x2FFFF;
	_ =	strace $0x9FFFFFFF  }
0xc3: {  	(tm) =	ssettm $0x7FFFFFFF  }
tec
execute0_lowered:
.L_overlay_start_1:
0x0: {  	(tag) =	ssettag $0x1  }
0x1: {  	s0 =	rddreg [dreg:$0x0]  }
0x2: {  	s3 =	rddreg [dreg:$0x1];
	s2 =	srdreg.scid  }
0x3: {  	s4 =	stileid.u32;
	s1 =	rddreg [dreg:$0x2];
	s17 =	simm.s32 $0xB  }
0x4: {  	s29 =	simm.s32 $0x1A400;
	s30 =	simm.s32 $0x3;
	s31 =	simm.s32 $0x6  }
0x5: {  	s28 =	simm.s32 $0x8;
	s6 =	sand.u32 $0x1, s2;
	s5 =	sshll.u32 s4, $0x1  }
0x6: {  	s2 =	simm.s32 $0x0;
	s8 =	sadd.s32 $0x19C00, s0;
	s24 =	smul.u32 $0xC8000, s4  }
0x7: {  	s5 =	sor.u32 s6, s5;
	s18 =	ssub.s32 $0x2, s6;
	s6 =	smul.u32 $0x64000, s6  }
0x8: {  	p0 =	sne.s32 s4, $0x0;
	s4 =	simm.s32 $0xA;
	s7 =	smul.u32 $0x6400, s5  }
0x9: {  	[smem:$0x7FF] =	sst s2;
	s16 =	sshrl.u32 @!p0 s1, $0x3;
	s9 =	smul.u32 $0x64000, s5  }
0xa: {  	_ =	strace $0x80000047;
	[dreg:$0x5] =	wrdreg s8;
	s10 =	smul.u32 $0x320000, s5  }
0xb: {  	s19 =	sshrl.u32 s18, $0x1;
	s7 =	sshrl.u32 s7, $0x3;
	s5 =	sadd.s32 s3, s9  }
0xc: {  	s22 =	sshrl.u32 s10, $0x3;
	s0 =	sadd.s32 s7, s0;
	s20 =	sadd.s32 $0xA00, s5  }
0xd: {  	s7 =	ssub.s32 s18, s19;
	s21 =	sadd.s32 $0x1400, s5;
	[dreg:$0x7] =	wrdreg s20  }
0xe: {  	s23 =	sadd.s32 $0x1E00, s5;
	s9 =	sadd.s32 $0x2800, s5;
	[dreg:$0x8] =	wrdreg s21  }
0xf: {  	s18 =	simm.s32 $0xA0;
	s19 =	simm.s32 $0x6400;
	[dreg:$0x9] =	wrdreg s23  }
0x10: {  	s0 =	sadd.s32 $0xC00, s0;
	[dreg:$0xa] =	wrdreg s9;
	s15 =	smax.u32 s7, $0x1  }
0x11: {  	s20 =	simm.s32 $0xB400;
	s23 =	simm.s32 $0x1;
	s21 =	simm.s32 $0x4  }
0x12: {  	[dreg:$0x6] =	wrdreg s0;
	s0 =	sadd.s32 s3, s22;
	s3 =	sadd.s32 s24, s3  }
0x13: {  	s22 =	simm.s32 $0x10400;
	s24 =	simm.s32 $0x7;
	s25 =	sadd.s32 $0x60E00, s0  }
0x14: {  	s11 =	sadd.s32 $0x61800, s0;
	s12 =	sadd.s32 $0x62200, s0;
	s13 =	sadd.s32 $0x62C00, s0  }
0x15: {  	s14 =	sadd.s32 $0x63600, s0;
	s26 =	sadd.s32 s6, s3;
	s0 =	simm.s32 $0x5  }
0x16: {  	s3 =	simm.s32 $0x9;
	s6 =	simm.s32 $0x0;
	[dreg:$0xb] =	wrdreg s25  }
0x17: {  	[dreg:$0x4] =	wrdreg s26;
	s25 =	simm.s32 $0x15400;
	s26 =	simm.s32 $0x2  }
.LBB2_1:
0x18: {  	s7 =	simm.s32 @!p0 $0x1C0B;
	s8 =	rddreg [dreg:$0x5]  }
0x19: {  	[spmem:s16], [sflag:s7] =	dma.local @!p0 [hbm:s8], $0x640  }
0x1a: {  	s7 =	simm.s32 @!p0 $0xB  }
0x1b: {  	_ =	swait.ge @!p0 [sflag:s7], $0x640  }
0x1c: {  	[sflag:s7] =	ssyncset.done @!p0 $0x0  }
0x1d: {  	s10 =	rddreg [dreg:$0x6];
	[sflag:s7] =	ssyncadd.s32 @!p0 $0xFFFFF9C0  }
0x1e: {  	[tilespmem:s2], [sflag:$0xB] =	stream.linear.gather [hbm4b:s10+s2], $0x6400, $0x38;
	[tilespmem:$0x1F720] =	vst v63  }
0x1f: {  	_ =	swait.ge [sflag:s17], $0x6400  }
0x20: {  	[sflag:s17] =	ssyncset.done $0x0  }
0x21: {  	[sflag:s17] =	ssyncadd.s32 $0xFFFF9C00  }
0x22: {  	[bflag:$0x0] =	sbarrier.arrive $0xFFFF  }
0x23: {  	[tilespmem:s19], [sflag:$0x1] =	stream.indirect.gather [spmem:s1], $0x80, s2, s18, $0xb8;
	[tilespmem:$0x1F720] =	vst v63  }
0x24: {  	_ = 	snop  }
0x25: {  	[tilespmem:s20], [sflag:$0x2] =	stream.indirect.gather [spmem:s1], $0x80, s18, s18, $0xb8;
	[tilespmem:$0x1F720] =	vst v63  }
0x26: {  	s8 =	simm.s32 $0x140  }
0x27: {  	[tilespmem:s22], [sflag:$0x3] =	stream.indirect.gather [spmem:s1], $0x80, s8, s18, $0xb8;
	[tilespmem:$0x1F720] =	vst v63  }
0x28: {  	_ =	swait.ge [sflag:s23], $0x5000  }
0x29: {  	[sflag:s23] =	ssyncset.done $0x0  }
0x2a: {  	[sflag:s23] =	ssyncadd.s32 $0xFFFFB000  }
0x2b: {  	[hbm4b:s5+s2] =	stream.linear.scatter [tilespmem:s19], [sflag:$0x6], $0x5000, $0x38;
	[tilespmem:$0x1F720] =	vst v63  }
0x2c: {  	s9 =	simm.s32 $0x1E0  }
0x2d: {  	[tilespmem:s25], [sflag:$0x4] =	stream.indirect.gather [spmem:s1], $0x80, s9, s18, $0xb8;
	[tilespmem:$0x1F720] =	vst v63  }
0x2e: {  	_ =	swait.ge [sflag:s26], $0x5000  }
0x2f: {  	[sflag:s26] =	ssyncset.done $0x0  }
0x30: {  	s10 =	rddreg [dreg:$0x7];
	[sflag:s26] =	ssyncadd.s32 $0xFFFFB000  }
0x31: {  	[hbm4b:s10+s2] =	stream.linear.scatter [tilespmem:s20], [sflag:$0x7], $0x5000, $0x38;
	[tilespmem:$0x1F720] =	vst v63  }
0x32: {  	s8 =	simm.s32 $0x280  }
0x33: {  	[tilespmem:s29], [sflag:$0x5] =	stream.indirect.gather [spmem:s1], $0x80, s8, s18, $0xb8;
	[tilespmem:$0x1F720] =	vst v63  }
0x34: {  	_ =	swait.ge [sflag:s30], $0x5000  }
0x35: {  	[sflag:s30] =	ssyncset.done $0x0  }
0x36: {  	s9 =	rddreg [dreg:$0x8];
	[sflag:s30] =	ssyncadd.s32 $0xFFFFB000  }
0x37: {  	[hbm4b:s9+s2] =	stream.linear.scatter [tilespmem:s22], [sflag:$0x8], $0x5000, $0x38;
	[tilespmem:$0x1F720] =	vst v63  }
0x38: {  	_ =	swait.ge [sflag:s31], $0x5000  }
0x39: {  	[sflag:s31] =	ssyncset.done $0x0  }
0x3a: {  	s10 =	simm.s32 $0x320;
	[sflag:s31] =	ssyncadd.s32 $0xFFFFB000  }
0x3b: {  	[tilespmem:s19], [sflag:$0x1] =	stream.indirect.gather [spmem:s1], $0x80, s10, s18, $0xb8;
	[tilespmem:$0x1F720] =	vst v63  }
0x3c: {  	_ =	swait.ge [sflag:s21], $0x5000  }
0x3d: {  	[sflag:s21] =	ssyncset.done $0x0  }
0x3e: {  	s8 =	rddreg [dreg:$0x9];
	[sflag:s21] =	ssyncadd.s32 $0xFFFFB000  }
0x3f: {  	[hbm4b:s8+s2] =	stream.linear.scatter [tilespmem:s25], [sflag:$0x9], $0x5000, $0x38;
	[tilespmem:$0x1F720] =	vst v63  }
0x40: {  	_ =	swait.ge [sflag:s24], $0x5000  }
0x41: {  	[sflag:s24] =	ssyncset.done $0x0  }
0x42: {  	s9 =	simm.s32 $0x3C0;
	[sflag:s24] =	ssyncadd.s32 $0xFFFFB000  }
0x43: {  	[tilespmem:s20], [sflag:$0x2] =	stream.indirect.gather [spmem:s1], $0x80, s9, s18, $0xb8;
	[tilespmem:$0x1F720] =	vst v63  }
0x44: {  	_ =	swait.ge [sflag:s0], $0x5000  }
0x45: {  	[sflag:s0] =	ssyncset.done $0x0  }
0x46: {  	s10 =	rddreg [dreg:$0xa];
	[sflag:s0] =	ssyncadd.s32 $0xFFFFB000  }
0x47: {  	[hbm4b:s10+s2] =	stream.linear.scatter [tilespmem:s29], [sflag:$0xA], $0x5000, $0x38;
	[tilespmem:$0x1F720] =	vst v63  }
0x48: {  	_ =	swait.ge [sflag:s28], $0x5000  }
0x49: {  	[sflag:s28] =	ssyncset.done $0x0  }
0x4a: {  	s8 =	simm.s32 $0x460;
	[sflag:s28] =	ssyncadd.s32 $0xFFFFB000  }
0x4b: {  	[tilespmem:s22], [sflag:$0x3] =	stream.indirect.gather [spmem:s1], $0x80, s8, s18, $0xb8;
	[tilespmem:$0x1F720] =	vst v63  }
0x4c: {  	_ =	swait.ge [sflag:s23], $0x5000  }
0x4d: {  	s9 =	rddreg [dreg:$0x4]  }
0x4e: {  	[sflag:s23] =	ssyncset.done $0x0;
	s8 =	sadd.s32 $0x0, s9  }
0x4f: {  	[sflag:s23] =	ssyncadd.s32 $0xFFFFB000;
	s7 =	sadd.s32 $0x3200, s8  }
0x50: {  	[hbm4b:s7+s2] =	stream.linear.scatter [tilespmem:s19], [sflag:$0x6], $0x5000, $0x38;
	[tilespmem:$0x1F720] =	vst v63  }
0x51: {  	_ =	swait.ge [sflag:s3], $0x5000  }
0x52: {  	[sflag:s3] =	ssyncset.done $0x0  }
0x53: {  	s10 =	simm.s32 $0x500;
	[sflag:s3] =	ssyncadd.s32 $0xFFFFB000  }
0x54: {  	[tilespmem:s25], [sflag:$0x4] =	stream.indirect.gather [spmem:s1], $0x80, s10, s18, $0xb8;
	[tilespmem:$0x1F720] =	vst v63  }
0x55: {  	_ =	swait.ge [sflag:s26], $0x5000  }
0x56: {  	[sflag:s26] =	ssyncset.done $0x0  }
0x57: {  	s9 =	sadd.s32 $0x3C00, s8;
	[sflag:s26] =	ssyncadd.s32 $0xFFFFB000  }
0x58: {  	[hbm4b:s9+s2] =	stream.linear.scatter [tilespmem:s20], [sflag:$0x7], $0x5000, $0x38;
	[tilespmem:$0x1F720] =	vst v63  }
0x59: {  	_ =	swait.ge [sflag:s4], $0x5000  }
0x5a: {  	[sflag:s4] =	ssyncset.done $0x0  }
0x5b: {  	s10 =	simm.s32 $0x5A0;
	[sflag:s4] =	ssyncadd.s32 $0xFFFFB000  }
0x5c: {  	[tilespmem:s29], [sflag:$0x5] =	stream.indirect.gather [spmem:s1], $0x80, s10, s18, $0xb8;
	[tilespmem:$0x1F720] =	vst v63  }
0x5d: {  	_ =	swait.ge [sflag:s30], $0x5000  }
0x5e: {  	[sflag:s30] =	ssyncset.done $0x0  }
0x5f: {  	s9 =	sadd.s32 $0x4600, s8;
	[sflag:s30] =	ssyncadd.s32 $0xFFFFB000  }
0x60: {  	[hbm4b:s9+s2] =	stream.linear.scatter [tilespmem:s22], [sflag:$0x8], $0x5000, $0x38;
	[tilespmem:$0x1F720] =	vst v63  }
0x61: {  	_ =	swait.ge [sflag:s31], $0x5000  }
0x62: {  	[sflag:s31] =	ssyncset.done $0x0  }
0x63: {  	s10 =	simm.s32 $0x640;
	[sflag:s31] =	ssyncadd.s32 $0xFFFFB000  }
0x64: {  	[tilespmem:s19], [sflag:$0x1] =	stream.indirect.gather [spmem:s1], $0x80, s10, s18, $0xb8;
	[tilespmem:$0x1F720] =	vst v63  }
0x65: {  	_ =	swait.ge [sflag:s21], $0x5000  }
0x66: {  	[sflag:s21] =	ssyncset.done $0x0  }
0x67: {  	s9 =	sadd.s32 $0x5000, s8;
	[sflag:s21] =	ssyncadd.s32 $0xFFFFB000  }
0x68: {  	[hbm4b:s9+s2] =	stream.linear.scatter [tilespmem:s25], [sflag:$0x9], $0x5000, $0x38;
	[tilespmem:$0x1F720] =	vst v63  }
0x69: {  	_ =	swait.ge [sflag:s24], $0x5000  }
0x6a: {  	[sflag:s24] =	ssyncset.done $0x0  }
0x6b: {  	s10 =	simm.s32 $0x6E0;
	[sflag:s24] =	ssyncadd.s32 $0xFFFFB000  }
0x6c: {  	[tilespmem:s20], [sflag:$0x2] =	stream.indirect.gather [spmem:s1], $0x80, s10, s18, $0xb8;
	[tilespmem:$0x1F720] =	vst v63  }
0x6d: {  	_ =	swait.ge [sflag:s0], $0x5000  }
0x6e: {  	s7 =	simm.s32 $0x3200;
	[sflag:s0] =	ssyncset.done $0x0  }
0x6f: {  	s9 =	sadd.s32 $0x5A00, s8;
	s8 =	simm.s32 $0xA00;
	[sflag:s0] =	ssyncadd.s32 $0xFFFFB000  }
.LBB2_2:
0x70: {  	[hbm4b:s9+s2] =	stream.linear.scatter [tilespmem:s29], [sflag:$0xA], $0x5000, $0x38;
	[tilespmem:$0x1F720] =	vst v63  }
0x71: {  	_ =	swait.ge [sflag:s28], $0x5000  }
0x72: {  	[sflag:s28] =	ssyncset.done $0x0  }
0x73: {  	s10 =	sadd.s32 $0xFFFFFD80, s8;
	[sflag:s28] =	ssyncadd.s32 $0xFFFFB000  }
0x74: {  	[tilespmem:s22], [sflag:$0x3] =	stream.indirect.gather [spmem:s1], $0x80, s10, s18, $0xb8;
	[tilespmem:$0x1F720] =	vst v63  }
0x75: {  	_ =	swait.ge [sflag:s23], $0x5000  }
0x76: {  	s9 =	smov.u32 s7;
	s10 =	rddreg [dreg:$0x4]  }
0x77: {  	[sflag:s23] =	ssyncset.done $0x0;
	s9 =	sadd.s32 s9, s10  }
0x78: {  	[sflag:s23] =	ssyncadd.s32 $0xFFFFB000;
	s10 =	sadd.s32 $0x3200, s9  }
0x79: {  	[hbm4b:s10+s2] =	stream.linear.scatter [tilespmem:s19], [sflag:$0x6], $0x5000, $0x38;
	[tilespmem:$0x1F720] =	vst v63  }
0x7a: {  	_ =	swait.ge [sflag:s3], $0x5000  }
0x7b: {  	[sflag:s3] =	ssyncset.done $0x0  }
0x7c: {  	s10 =	sadd.s32 $0xFFFFFE20, s8;
	[sflag:s3] =	ssyncadd.s32 $0xFFFFB000  }
0x7d: {  	[tilespmem:s25], [sflag:$0x4] =	stream.indirect.gather [spmem:s1], $0x80, s10, s18, $0xb8;
	[tilespmem:$0x1F720] =	vst v63  }
0x7e: {  	_ =	swait.ge [sflag:s26], $0x5000  }
0x7f: {  	[sflag:s26] =	ssyncset.done $0x0  }
0x80: {  	s10 =	sadd.s32 $0x3C00, s9;
	[sflag:s26] =	ssyncadd.s32 $0xFFFFB000  }
0x81: {  	[hbm4b:s10+s2] =	stream.linear.scatter [tilespmem:s20], [sflag:$0x7], $0x5000, $0x38;
	[tilespmem:$0x1F720] =	vst v63  }
0x82: {  	_ =	swait.ge [sflag:s4], $0x5000  }
0x83: {  	[sflag:s4] =	ssyncset.done $0x0  }
0x84: {  	s10 =	sadd.s32 $0xFFFFFEC0, s8;
	[sflag:s4] =	ssyncadd.s32 $0xFFFFB000  }
0x85: {  	[tilespmem:s29], [sflag:$0x5] =	stream.indirect.gather [spmem:s1], $0x80, s10, s18, $0xb8;
	[tilespmem:$0x1F720] =	vst v63  }
0x86: {  	_ =	swait.ge [sflag:s30], $0x5000  }
0x87: {  	[sflag:s30] =	ssyncset.done $0x0  }
0x88: {  	s10 =	sadd.s32 $0x4600, s9;
	[sflag:s30] =	ssyncadd.s32 $0xFFFFB000  }
0x89: {  	[hbm4b:s10+s2] =	stream.linear.scatter [tilespmem:s22], [sflag:$0x8], $0x5000, $0x38;
	[tilespmem:$0x1F720] =	vst v63  }
0x8a: {  	_ =	swait.ge [sflag:s31], $0x5000  }
0x8b: {  	[sflag:s31] =	ssyncset.done $0x0  }
0x8c: {  	s10 =	sadd.s32 $0xFFFFFF60, s8;
	[sflag:s31] =	ssyncadd.s32 $0xFFFFB000  }
0x8d: {  	[tilespmem:s19], [sflag:$0x1] =	stream.indirect.gather [spmem:s1], $0x80, s10, s18, $0xb8;
	[tilespmem:$0x1F720] =	vst v63  }
0x8e: {  	_ =	swait.ge [sflag:s21], $0x5000  }
0x8f: {  	[sflag:s21] =	ssyncset.done $0x0  }
0x90: {  	s10 =	sadd.s32 $0x5000, s9;
	[sflag:s21] =	ssyncadd.s32 $0xFFFFB000  }
0x91: {  	[hbm4b:s10+s2] =	stream.linear.scatter [tilespmem:s25], [sflag:$0x9], $0x5000, $0x38;
	[tilespmem:$0x1F720] =	vst v63  }
0x92: {  	_ =	swait.ge [sflag:s24], $0x5000  }
0x93: {  	p1 =	sne.s32 s7, $0x5AA00;
	[sflag:s24] =	ssyncset.done $0x0  }
.Ltmp0:
0x94: {  	[sflag:s24] =	ssyncadd.s32 $0xFFFFB000;
	(pc) =	sbr.rel @p1 .LBB2_2-.Ltmp0, $4  }
0x95: {  	[tilespmem:s20], [sflag:$0x2] =	stream.indirect.gather [spmem:s1], $0x80, s8, s18, $0xb8;
	[tilespmem:$0x1F720] =	vst v63  }
0x96: {  	_ =	swait.ge [sflag:s0], $0x5000  }
0x97: {  	s7 =	sadd.s32 $0x3200, s7;
	[sflag:s0] =	ssyncset.done $0x0  }
0x98: {  	s9 =	sadd.s32 $0x5A00, s9;
	s8 =	sadd.s32 $0x320, s8;
	[sflag:s0] =	ssyncadd.s32 $0xFFFFB000  }
0x99: {  	[hbm4b:s9+s2] =	stream.linear.scatter [tilespmem:s29], [sflag:$0xA], $0x5000, $0x38;
	[tilespmem:$0x1F720] =	vst v63  }
0x9a: {  	_ =	swait.ge [sflag:s28], $0x5000  }
0x9b: {  	[sflag:s28] =	ssyncset.done $0x0  }
0x9c: {  	s7 =	simm.s32 $0x6220;
	[sflag:s28] =	ssyncadd.s32 $0xFFFFB000  }
0x9d: {  	[tilespmem:s22], [sflag:$0x3] =	stream.indirect.gather [spmem:s1], $0x80, s7, s18, $0xb8;
	[tilespmem:$0x1F720] =	vst v63  }
0x9e: {  	_ =	swait.ge [sflag:s23], $0x5000  }
0x9f: {  	[sflag:s23] =	ssyncset.done $0x0  }
0xa0: {  	s8 =	rddreg [dreg:$0xb];
	[sflag:s23] =	ssyncadd.s32 $0xFFFFB000  }
0xa1: {  	[hbm4b:s8+s2] =	stream.linear.scatter [tilespmem:s19], [sflag:$0x6], $0x5000, $0x38;
	[tilespmem:$0x1F720] =	vst v63  }
0xa2: {  	_ =	swait.ge [sflag:s3], $0x5000  }
0xa3: {  	[sflag:s3] =	ssyncset.done $0x0  }
0xa4: {  	s9 =	simm.s32 $0x62C0;
	[sflag:s3] =	ssyncadd.s32 $0xFFFFB000  }
0xa5: {  	[tilespmem:s25], [sflag:$0x4] =	stream.indirect.gather [spmem:s1], $0x80, s9, s18, $0xb8;
	[tilespmem:$0x1F720] =	vst v63  }
0xa6: {  	_ =	swait.ge [sflag:s26], $0x5000  }
0xa7: {  	[sflag:s26] =	ssyncset.done $0x0  }
0xa8: {  	[sflag:s26] =	ssyncadd.s32 $0xFFFFB000  }
0xa9: {  	[hbm4b:s11+s2] =	stream.linear.scatter [tilespmem:s20], [sflag:$0x7], $0x5000, $0x38;
	[tilespmem:$0x1F720] =	vst v63  }
0xaa: {  	_ =	swait.ge [sflag:s4], $0x5000  }
0xab: {  	[sflag:s4] =	ssyncset.done $0x0  }
0xac: {  	s10 =	simm.s32 $0x6360;
	[sflag:s4] =	ssyncadd.s32 $0xFFFFB000  }
0xad: {  	[tilespmem:s29], [sflag:$0x5] =	stream.indirect.gather [spmem:s1], $0x80, s10, s18, $0xb8;
	[tilespmem:$0x1F720] =	vst v63  }
0xae: {  	_ =	swait.ge [sflag:s30], $0x5000  }
0xaf: {  	[sflag:s30] =	ssyncset.done $0x0  }
0xb0: {  	[sflag:s30] =	ssyncadd.s32 $0xFFFFB000  }
0xb1: {  	[hbm4b:s12+s2] =	stream.linear.scatter [tilespmem:s22], [sflag:$0x8], $0x5000, $0x38;
	[tilespmem:$0x1F720] =	vst v63  }
0xb2: {  	_ =	swait.ge [sflag:s21], $0x5000  }
0xb3: {  	[sflag:s21] =	ssyncset.done $0x0  }
0xb4: {  	[sflag:s21] =	ssyncadd.s32 $0xFFFFB000  }
0xb5: {  	[hbm4b:s13+s2] =	stream.linear.scatter [tilespmem:s25], [sflag:$0x9], $0x5000, $0x38;
	[tilespmem:$0x1F720] =	vst v63  }
0xb6: {  	_ =	swait.ge [sflag:s0], $0x5000  }
0xb7: {  	[sflag:s0] =	ssyncset.done $0x0  }
0xb8: {  	[sflag:s0] =	ssyncadd.s32 $0xFFFFB000  }
0xb9: {  	[hbm4b:s14+s2] =	stream.linear.scatter [tilespmem:s29], [sflag:$0xA], $0x5000, $0x38;
	[tilespmem:$0x1F720] =	vst v63  }
0xba: {  	_ =	swait.ge [sflag:s31], $0x5000  }
0xbb: {  	[sflag:s31] =	ssyncset.done $0x0  }
0xbc: {  	[sflag:s31] =	ssyncadd.s32 $0xFFFFB000  }
0xbd: {  	_ =	swait.ge [sflag:s24], $0x5000  }
0xbe: {  	[sflag:s24] =	ssyncset.done $0x0  }
0xbf: {  	[sflag:s24] =	ssyncadd.s32 $0xFFFFB000  }
0xc0: {  	_ =	swait.ge [sflag:s28], $0x5000  }
0xc1: {  	[sflag:s28] =	ssyncset.done $0x0  }
0xc2: {  	s6 =	sadd.s32 $0x1, s6;
	[sflag:s28] =	ssyncadd.s32 $0xFFFFB000  }
0xc3: {  	p1 =	sne.s32 s6, s15;
	_ =	swait.ge [sflag:s3], $0x5000  }
.Ltmp1:
0xc4: {  	[sflag:s3] =	ssyncset.done $0x0;
	(pc) =	sbr.rel @p1 .LBB2_1-.Ltmp1, $4  }
0xc5: {  	[sflag:s3] =	ssyncadd.s32 $0xFFFFB000  }
0xc6: {  	_ =	swait.ge [sflag:s4], $0x5000  }
0xc7: {  	[sflag:s4] =	ssyncset.done $0x0  }
0xc8: {  	[sflag:s4] =	ssyncadd.s32 $0xFFFFB000  }
0xc9: {  	_ =	sfence.sel $0x180000  }
0xca: {  	[bflag:$0x0] =	sbarrier.arrive $0xFFFF  }
0xcb: {  	_ =	strace $0x90000047  }
0xcc: {  	[bflag:$0x2] =	sbarrier.arrive $0xFFFF  }
0xcd: {  	s0 =	rddreg [dreg:$0x3]  }
0xce: {  	s0 =	sadd.s32 @!p0 $0x100000, s0  }
0xcf: {  	[sflag:s0] =	ssyncadd.tile.s32 @!p0 $0x1;
	_ =	shalt  }
.Lfunc_end2:
_tile_overlayer_lowered:
.L_overlay_start_2:
0xd0: {  	(tag) =	ssettag $0x2  }
0xd1: {  	s0 =	rddreg [dreg:$0x0];
	s2 =	stileid.u32  }
0xd2: {  	s1 =	rddreg [dreg:$0x1];
	p0 =	sne.s32 s2, $0x0  }
0xd3: {  	s3 =	rddreg [dreg:$0x2];
	[bflag:$0x3] =	sbarrier.arrive $0xFFFF;
	s2 =	simm.s32 @!p0 $0x1C0B  }
0xd4: {  	[timem:s3], [sflag:s2] =	dma.local @!p0 [hbm:s0], s1  }
0xd5: {  	s0 =	simm.s32 @!p0 $0xB  }
0xd6: {  	_ =	swait.ge @!p0 [sflag:s0], s1  }
0xd7: {  	s1 =	ssub.s32 @!p0 $0x0, s1;
	[sflag:s0] =	ssyncset.done @!p0 $0x0  }
0xd8: {  	[sflag:s0] =	ssyncadd.s32 @!p0 s1  }
0xd9: {  	[bflag:$0x3] =	sbarrier.arrive $0xFFFF  }
0xda: {  	_ =	shalt  }

</sc_bundles>
